<compile_context>
chip_gen: v7x
topology: tpu7x:2x2x1
jax: 0.10.2.dev20260603
libtpu: 0.0.44.dev20260713+nightly
codegen_flags: <defaults>
</compile_context>

<pallas_src>
import jax
import jax.numpy as jnp
from jax import lax
from jax.experimental import pallas as pl
from jax.experimental.pallas import tpu as pltpu
from jax.experimental.pallas import tpu_sc as plsc

B = 256
N = 32768
C = 16
L = 16
NC = 2
NS = 16
NW = NC * NS
R_SC = 32
RPW = R_SC // NW
K = 8192
NCHUNK = N // K
HIST = 256
GPC = K // L
R_TC = B - R_SC
NSEG = 8
WID = NSEG * C


def _body(values_hbm, labels_hbm, out_hbm,
          vbuf, lbuf, acc, cnt_acc, outb, cntb, cnt_all, rsbuf, clb_v,
          cnt_sh, sem_v0, sem_v1, sem_l0, sem_l1):
  cid = lax.axis_index("c")
  sid = lax.axis_index("s")
  wid = sid * NC + cid
  out_base = wid * RPW
  row_base = R_TC + out_base
  sem_v = (sem_v0, sem_v1)
  sem_l = (sem_l0, sem_l1)

  zeros = jnp.zeros((L,), jnp.float32)
  ones = jnp.ones((L,), jnp.float32)
  iota = lax.broadcasted_iota(jnp.int32, (L,), 0)
  lane_base = iota * C

  def _zero(i, _):
    acc[pl.ds(i * L, L)] = zeros
    return 0
  lax.fori_loop(0, (RPW * HIST) // L, _zero, 0)

  def _zero_cnt(i, _):
    cnt_acc[pl.ds(i * L, L)] = zeros
    return 0
  lax.fori_loop(0, HIST // L, _zero_cnt, 0)

  def start(g):
    b = g % 2
    cv = pltpu.async_copy(
        values_hbm.at[pl.ds(row_base, RPW), pl.ds(g * K, K)],
        vbuf.at[b], sem_v[b])
    cl = pltpu.async_copy(
        labels_hbm.at[pl.ds(g * K, K)], lbuf.at[b], sem_l[b])
    return cv, cl

  inflight = start(0)
  for g in range(NCHUNK):
    b = g % 2
    cv, cl = inflight
    cv.wait()
    cl.wait()
    if g + 1 < NCHUNK:
      inflight = start(g + 1)

    @plsc.parallel_loop(0, GPC, unroll=4)
    def _group(j):
      lab = lbuf[b, pl.ds(j * L, L)]
      idx0 = lab + lane_base
      vs = [vbuf[b, r, pl.ds(j * L, L)] for r in range(RPW)]
      idxs = [idx0 + (r * HIST) for r in range(RPW)]
      for r in range(RPW):
        plsc.addupdate_scatter(acc, [idxs[r]], vs[r])

    def _cnt(jj, _):
      lab = lbuf[b, pl.ds((sid * (GPC // NS) + jj) * L, L)]
      plsc.addupdate_scatter(cnt_acc, [lab + lane_base], ones)
      return 0
    lax.fori_loop(0, GPC // NS, _cnt, 0)

  def _redc(l, s):
    return s + cnt_acc[pl.ds(l * L, L)]
  cntb[...] = lax.fori_loop(0, L, _redc, zeros)
  pltpu.sync_copy(cntb, cnt_sh.at[sid])
  plsc.subcore_barrier()
  pltpu.sync_copy(cnt_sh, cnt_all)

  def _redall(t, s):
    return s + cnt_all[t, :]
  counts = lax.fori_loop(0, NS, _redall, zeros)

  present = counts > 0.5
  pos = plsc.cumsum(present.astype(jnp.int32)) - 1
  clb_v[...] = jnp.zeros((C,), jnp.int32)
  plsc.store_scatter(clb_v, [pos], iota, mask=present)
  clab = clb_v[...]

  for r in range(RPW):
    def _red(l, s):
      return s + acc[pl.ds(r * HIST + l * L, L)]
    rsbuf[...] = lax.fori_loop(0, L, _red, zeros)
    outb[r, :] = plsc.load_gather(rsbuf, [clab])
  pltpu.sync_copy(outb, out_hbm.at[pl.ds(out_base, RPW), :])


def _tc_body(lab_ref, val_ref, out_ref, acc_ref, cnt_ref):
  k = pl.program_id(0)

  @pl.when(k == 0)
  def _():
    acc_ref[...] = jnp.zeros_like(acc_ref)
    cnt_ref[...] = jnp.zeros_like(cnt_ref)

  lab = lab_ref[0, :]
  seg = lax.broadcasted_iota(jnp.int32, (K,), 0) // (K // NSEG)
  idx = lab + seg * C
  oh = (idx[:, None] == lax.broadcasted_iota(jnp.int32, (K, WID), 1)
        ).astype(jnp.float32)
  acc_ref[...] += jnp.dot(val_ref[...], oh,
                          preferred_element_type=jnp.float32)

  oht = (lab[None, :] == lax.broadcasted_iota(jnp.int32, (C, K), 0)
         ).astype(jnp.float32)
  cnt_ref[...] += jnp.sum(oht, axis=1, keepdims=True)

  @pl.when(k == NCHUNK - 1)
  def _():
    presb = cnt_ref[...] > 0.5
    crow = lax.broadcasted_iota(jnp.int32, (C, C), 0)
    ccol = lax.broadcasted_iota(jnp.int32, (C, C), 1)
    tril = (ccol <= crow).astype(jnp.float32)
    posc = jnp.dot(tril, presb.astype(jnp.float32),
                   preferred_element_type=jnp.float32) - 1.0
    pmain = jnp.logical_and(presb, posc.astype(jnp.int32) == ccol)
    colhas = jnp.sum(pmain.astype(jnp.float32), axis=0, keepdims=True)
    pfill = jnp.logical_and(crow == 0, colhas < 0.5)
    perm = jnp.logical_or(pmain, pfill).astype(jnp.float32)
    wrow = lax.broadcasted_iota(jnp.int32, (WID, C), 0)
    wcol = lax.broadcasted_iota(jnp.int32, (WID, C), 1)
    fold = (wrow % C == wcol).astype(jnp.float32)
    fp = jnp.dot(fold, perm, preferred_element_type=jnp.float32,
                 precision=lax.Precision.HIGHEST)
    out_ref[...] = jnp.dot(acc_ref[...], fp,
                           preferred_element_type=jnp.float32,
                           precision=lax.Precision.HIGHEST)


@jax.jit
def _pooled_sums(values, labels):
  sums_tc = pl.pallas_call(
      _tc_body,
      grid=(NCHUNK,),
      in_specs=[
          pl.BlockSpec((1, K), lambda k: (0, k)),
          pl.BlockSpec((R_TC, K), lambda k: (0, k)),
      ],
      out_specs=pl.BlockSpec((R_TC, C), lambda k: (0, 0)),
      out_shape=jax.ShapeDtypeStruct((R_TC, C), jnp.float32),
      scratch_shapes=[
          pltpu.VMEM((R_TC, WID), jnp.float32),
          pltpu.VMEM((C, 1), jnp.float32),
      ],
  )(labels.reshape(1, N), values)

  sums_sc = pl.kernel(
      _body,
      out_type=jax.ShapeDtypeStruct((R_SC, C), jnp.float32),
      mesh=plsc.VectorSubcoreMesh(
          core_axis_name="c", subcore_axis_name="s",
          num_cores=NC, num_subcores=NS),
      compiler_params=pltpu.CompilerParams(needs_layout_passes=False),
      scratch_types=[
          pltpu.VMEM((2, RPW, K), jnp.float32),
          pltpu.VMEM((2, K), jnp.int32),
          pltpu.VMEM((RPW * HIST,), jnp.float32),
          pltpu.VMEM((HIST,), jnp.float32),
          pltpu.VMEM((RPW, C), jnp.float32),
          pltpu.VMEM((C,), jnp.float32),
          pltpu.VMEM((NS, C), jnp.float32),
          pltpu.VMEM((C,), jnp.float32),
          pltpu.VMEM((C,), jnp.int32),
          pltpu.VMEM_SHARED((NS, C), jnp.float32),
          pltpu.SemaphoreType.DMA,
          pltpu.SemaphoreType.DMA,
          pltpu.SemaphoreType.DMA,
          pltpu.SemaphoreType.DMA,
      ],
  )(values, labels)

  return jnp.concatenate([sums_tc, sums_sc], axis=0)


def kernel(values, labels):
  return _pooled_sums(values, labels)

# --- scband reference (transcript-rebuilt; emitter-appended) ---
"""Pipeline reference for scband-stratified-sum-pooling-73048803770493 (READ-ONLY COPY).

The authoritative reference and input builder live on the scoring server;
editing this copy changes nothing except your own understanding.
"""

import jax, jax.numpy as jnp
import numpy as np


def setup_inputs(seed: int = 0) -> dict:
    key = jax.random.key(seed)
    k1, k2 = jax.random.split(key)
    values = jax.random.normal(k1, (256, 32768), dtype=jnp.float32)
    labels = jax.random.randint(k2, (32768,), 0, 16, dtype=jnp.int32)
    return {"values": values, "labels": labels}


def reference(values, labels):
    # Faithful translation of stratified_sum_pooling / stratify_with (1-D labels path).
    clabels = jnp.unique(labels, size=16, fill_value=0)  # sorted unique class labels
    num_classes = int(clabels.shape[0])
    if values.shape[1] == num_classes:
        return values
    batch_size = values.shape[0]
    winning_values = jnp.zeros((num_classes, batch_size), dtype=values.dtype)
    filler = jnp.zeros_like(values)  # fill_value = 0.0
    for i in range(num_classes):
        cl = clabels[i]
        matcher = jnp.equal(labels, cl)  # [N]
        cdists = jnp.where(matcher[None, :], values, filler)  # [B, N]
        winning_values = winning_values.at[i].set(jnp.sum(cdists, axis=1))
    return winning_values.T  # [B, num_classes]

if __name__ == "__main__":
    import jax
    _d = setup_inputs()
    print(jax.jit(kernel)(*tuple(_d.values())))

</pallas_src>

<mosaic_0001>
#map = affine_map<(d0, d1) -> (0, 0)>
#map1 = affine_map<(d0, d1) -> (0)>
module attributes {stable_mosaic.version = 14 : i64} {
  func.func @_body(%arg0: i32, %arg1: i32, %arg2: memref<256x32768xf32, #tpu.memory_space<hbm>>, %arg3: memref<32768xi32, #tpu.memory_space<hbm>>, %arg4: memref<32x16xf32, #tpu.memory_space<hbm>>, %arg5: memref<2x1x8192xf32, #tpu.memory_space<vmem>>, %arg6: memref<2x8192xi32, #tpu.memory_space<vmem>>, %arg7: memref<256xf32, #tpu.memory_space<vmem>>, %arg8: memref<256xf32, #tpu.memory_space<vmem>>, %arg9: memref<1x16xf32, #tpu.memory_space<vmem>>, %arg10: memref<16xf32, #tpu.memory_space<vmem>>, %arg11: memref<16x16xf32, #tpu.memory_space<vmem>>, %arg12: memref<16xf32, #tpu.memory_space<vmem>>, %arg13: memref<16xi32, #tpu.memory_space<vmem>>, %arg14: memref<16x16xf32, #tpu.memory_space<vmem_shared>>, %arg15: memref<!tpu.dma_semaphore, #tpu.memory_space<semaphore_mem>>, %arg16: memref<!tpu.dma_semaphore, #tpu.memory_space<semaphore_mem>>, %arg17: memref<!tpu.dma_semaphore, #tpu.memory_space<semaphore_mem>>, %arg18: memref<!tpu.dma_semaphore, #tpu.memory_space<semaphore_mem>>) attributes {dimension_semantics = [#tpu.dimension_semantics<core_parallel>, #tpu.dimension_semantics<subcore_parallel>], iteration_bounds = array<i64: 2, 16>, scalar_prefetch = 0 : i64, scratch_operands = 14 : i64, tpu.core_type = #tpu.core_type<sc_vector_subcore>, window_params = [{transform_indices = #map}, {transform_indices = #map1}, {transform_indices = #map}]} {
    %mul3A = arith.constant 2 : i32
    %mul3A_0 = arith.muli %arg1, %mul3A : i32
    %add3A = arith.addi %mul3A_0, %arg0 : i32
    %mul3A_1 = arith.constant 1 : i32
    %mul3A_2 = arith.muli %add3A, %mul3A_1 : i32
    %add3A_3 = arith.constant 224 : i32
    %add3A_4 = arith.addi %add3A_3, %mul3A_2 : i32
    %broadcast_in_dim3A = arith.constant 0.000000e+00 : f32
    %broadcast_in_dim3A_5 = vector.broadcast %broadcast_in_dim3A : f32 to vector<16xf32>
    %broadcast_in_dim3A_6 = arith.constant 1.000000e+00 : f32
    %broadcast_in_dim3A_7 = vector.broadcast %broadcast_in_dim3A_6 : f32 to vector<16xf32>
    %iota3A = tpu.iota {dimensions = array<i32: 0>} : vector<16xi32>
    %mul3A_8 = arith.constant 16 : i32
    %mul3A_9 = vector.broadcast %mul3A_8 : i32 to vector<16xi32>
    %mul3A_10 = arith.muli %iota3A, %mul3A_9 : vector<16xi32>
    %scan3A = arith.constant 0 : i32
    %scan3A_11 = arith.constant 0 : i32
    %scan3A_12 = arith.constant 16 : i32
    %scan3A_13 = arith.addi %scan3A_11, %scan3A_12 : i32
    %scan3A_14 = arith.constant 1 : i32
    %scan3A_15 = scf.for %scan3A_289 = %scan3A_11 to %scan3A_13 step %scan3A_14 iter_args(%scan3A_290 = %scan3A) -> (i32)  : i32 {
      %mul3A_291 = arith.constant 16 : i32
      %mul3A_292 = arith.muli %scan3A_289, %mul3A_291 : i32
      %swap3A_293 = arith.index_cast %mul3A_292 : i32 to index
      %swap3A_294 = tpu.vector_load %arg7[%swap3A_293] {strides = array<i32>} : memref<256xf32, #tpu.memory_space<vmem>>, vector<16xf32>,
      tpu.vector_store %arg7[%swap3A_293], %broadcast_in_dim3A_5 {strides = array<i32>} : memref<256xf32, #tpu.memory_space<vmem>>, vector<16xf32>,
      %scan3A_295 = arith.constant 0 : i32
      scf.yield %scan3A_295 : i32
    }
    %scan3A_16 = arith.constant 16 : i32
    %scan3A_17 = arith.constant 0 : i32
    %scan3A_18 = arith.constant 0 : i32
    %scan3A_19 = arith.constant 16 : i32
    %scan3A_20 = arith.addi %scan3A_18, %scan3A_19 : i32
    %scan3A_21 = arith.constant 1 : i32
    %scan3A_22 = scf.for %scan3A_289 = %scan3A_18 to %scan3A_20 step %scan3A_21 iter_args(%scan3A_290 = %scan3A_17) -> (i32)  : i32 {
      %mul3A_291 = arith.constant 16 : i32
      %mul3A_292 = arith.muli %scan3A_289, %mul3A_291 : i32
      %swap3A_293 = arith.index_cast %mul3A_292 : i32 to index
      %swap3A_294 = tpu.vector_load %arg8[%swap3A_293] {strides = array<i32>} : memref<256xf32, #tpu.memory_space<vmem>>, vector<16xf32>,
      tpu.vector_store %arg8[%swap3A_293], %broadcast_in_dim3A_5 {strides = array<i32>} : memref<256xf32, #tpu.memory_space<vmem>>, vector<16xf32>,
      %scan3A_295 = arith.constant 0 : i32
      scf.yield %scan3A_295 : i32
    }
    %scan3A_23 = arith.constant 16 : i32
    %dma_start3A = arith.constant 0 : i32
    %dma_start3A_24 = arith.constant 0 : i32
    %dma_start3A_25 = arith.constant 0 : i32
    %dma_start3A_26 = tpu.memref_slice %arg5[%dma_start3A, %dma_start3A_24, %dma_start3A_25] : memref<2x1x8192xf32, #tpu.memory_space<vmem>> -> memref<1x1x8192xf32, #tpu.memory_space<vmem>>
    %dma_start3A_27 = tpu.memref_squeeze %dma_start3A_26 : memref<1x1x8192xf32, #tpu.memory_space<vmem>> -> memref<1x8192xf32, #tpu.memory_space<vmem>>
    %dma_start3A_28 = arith.constant 0 : i32
    %dma_start3A_29 = tpu.memref_slice %arg2[%add3A_4, %dma_start3A_28] : memref<256x32768xf32, #tpu.memory_space<hbm>> -> memref<1x8192xf32, #tpu.memory_space<hbm>>
    %dma_start3A_30 = arith.constant 0 : i32
    %dma_start3A_31 = arith.constant 0 : i32
    %dma_start3A_32 = tpu.memref_slice %arg5[%dma_start3A, %dma_start3A_30, %dma_start3A_31] : memref<2x1x8192xf32, #tpu.memory_space<vmem>> -> memref<1x1x8192xf32, #tpu.memory_space<vmem>>
    %dma_start3A_33 = tpu.memref_squeeze %dma_start3A_32 : memref<1x1x8192xf32, #tpu.memory_space<vmem>> -> memref<1x8192xf32, #tpu.memory_space<vmem>>
    %dma_start3A_34 = arith.constant 0 : i32
    %dma_start3A_35 = tpu.memref_slice %arg2[%add3A_4, %dma_start3A_34] : memref<256x32768xf32, #tpu.memory_space<hbm>> -> memref<1x8192xf32, #tpu.memory_space<hbm>>
    tpu.enqueue_dma source(%dma_start3A_35 : memref<1x8192xf32, #tpu.memory_space<hbm>>) target(%dma_start3A_33 : memref<1x8192xf32, #tpu.memory_space<vmem>>) target_semaphore(%arg15 : memref<!tpu.dma_semaphore, #tpu.memory_space<semaphore_mem>>)
    %dma_start3A_36 = arith.constant 0 : i32
    %dma_start3A_37 = arith.constant 0 : i32
    %dma_start3A_38 = tpu.memref_slice %arg6[%dma_start3A_36, %dma_start3A_37] : memref<2x8192xi32, #tpu.memory_space<vmem>> -> memref<1x8192xi32, #tpu.memory_space<vmem>>
    %dma_start3A_39 = tpu.memref_squeeze %dma_start3A_38 : memref<1x8192xi32, #tpu.memory_space<vmem>> -> memref<8192xi32, #tpu.memory_space<vmem>>
    %dma_start3A_40 = arith.constant 0 : i32
    %dma_start3A_41 = tpu.memref_slice %arg3[%dma_start3A_40] : memref<32768xi32, #tpu.memory_space<hbm>> -> memref<8192xi32, #tpu.memory_space<hbm>>
    %dma_start3A_42 = arith.constant 0 : i32
    %dma_start3A_43 = tpu.memref_slice %arg6[%dma_start3A_36, %dma_start3A_42] : memref<2x8192xi32, #tpu.memory_space<vmem>> -> memref<1x8192xi32, #tpu.memory_space<vmem>>
    %dma_start3A_44 = tpu.memref_squeeze %dma_start3A_43 : memref<1x8192xi32, #tpu.memory_space<vmem>> -> memref<8192xi32, #tpu.memory_space<vmem>>
    %dma_start3A_45 = arith.constant 0 : i32
    %dma_start3A_46 = tpu.memref_slice %arg3[%dma_start3A_45] : memref<32768xi32, #tpu.memory_space<hbm>> -> memref<8192xi32, #tpu.memory_space<hbm>>
    tpu.enqueue_dma source(%dma_start3A_46 : memref<8192xi32, #tpu.memory_space<hbm>>) target(%dma_start3A_44 : memref<8192xi32, #tpu.memory_space<vmem>>) target_semaphore(%arg17 : memref<!tpu.dma_semaphore, #tpu.memory_space<semaphore_mem>>)
    %dma_wait3A = arith.constant 0 : i32
    %dma_wait3A_47 = arith.constant 0 : i32
    %dma_wait3A_48 = arith.constant 0 : i32
    %dma_wait3A_49 = tpu.memref_slice %arg5[%dma_wait3A, %dma_wait3A_47, %dma_wait3A_48] : memref<2x1x8192xf32, #tpu.memory_space<vmem>> -> memref<1x1x8192xf32, #tpu.memory_space<vmem>>
    %dma_wait3A_50 = tpu.memref_squeeze %dma_wait3A_49 : memref<1x1x8192xf32, #tpu.memory_space<vmem>> -> memref<1x8192xf32, #tpu.memory_space<vmem>>
    %dma_wait3A_51 = arith.constant 0 : i32
    %dma_wait3A_52 = tpu.memref_slice %arg2[%add3A_4, %dma_wait3A_51] : memref<256x32768xf32, #tpu.memory_space<hbm>> -> memref<1x8192xf32, #tpu.memory_space<hbm>>
    %dma_wait3A_53 = arith.constant 0 : i32
    %dma_wait3A_54 = arith.constant 0 : i32
    %dma_wait3A_55 = tpu.memref_slice %arg5[%dma_wait3A, %dma_wait3A_53, %dma_wait3A_54] : memref<2x1x8192xf32, #tpu.memory_space<vmem>> -> memref<1x1x8192xf32, #tpu.memory_space<vmem>>
    %dma_wait3A_56 = tpu.memref_squeeze %dma_wait3A_55 : memref<1x1x8192xf32, #tpu.memory_space<vmem>> -> memref<1x8192xf32, #tpu.memory_space<vmem>>
    %dma_wait3A_57 = arith.constant 0 : i32
    %dma_wait3A_58 = tpu.memref_slice %arg2[%add3A_4, %dma_wait3A_57] : memref<256x32768xf32, #tpu.memory_space<hbm>> -> memref<1x8192xf32, #tpu.memory_space<hbm>>
    tpu.wait_dma2 semaphore(%arg15 : memref<!tpu.dma_semaphore, #tpu.memory_space<semaphore_mem>>) src(%dma_wait3A_58 : memref<1x8192xf32, #tpu.memory_space<hbm>>) dst(%dma_wait3A_56 : memref<1x8192xf32, #tpu.memory_space<vmem>>)
    %dma_wait3A_59 = arith.constant 0 : i32
    %dma_wait3A_60 = arith.constant 0 : i32
    %dma_wait3A_61 = tpu.memref_slice %arg6[%dma_wait3A_59, %dma_wait3A_60] : memref<2x8192xi32, #tpu.memory_space<vmem>> -> memref<1x8192xi32, #tpu.memory_space<vmem>>
    %dma_wait3A_62 = tpu.memref_squeeze %dma_wait3A_61 : memref<1x8192xi32, #tpu.memory_space<vmem>> -> memref<8192xi32, #tpu.memory_space<vmem>>
    %dma_wait3A_63 = arith.constant 0 : i32
    %dma_wait3A_64 = tpu.memref_slice %arg3[%dma_wait3A_63] : memref<32768xi32, #tpu.memory_space<hbm>> -> memref<8192xi32, #tpu.memory_space<hbm>>
    %dma_wait3A_65 = arith.constant 0 : i32
    %dma_wait3A_66 = tpu.memref_slice %arg6[%dma_wait3A_59, %dma_wait3A_65] : memref<2x8192xi32, #tpu.memory_space<vmem>> -> memref<1x8192xi32, #tpu.memory_space<vmem>>
    %dma_wait3A_67 = tpu.memref_squeeze %dma_wait3A_66 : memref<1x8192xi32, #tpu.memory_space<vmem>> -> memref<8192xi32, #tpu.memory_space<vmem>>
    %dma_wait3A_68 = arith.constant 0 : i32
    %dma_wait3A_69 = tpu.memref_slice %arg3[%dma_wait3A_68] : memref<32768xi32, #tpu.memory_space<hbm>> -> memref<8192xi32, #tpu.memory_space<hbm>>
    tpu.wait_dma2 semaphore(%arg17 : memref<!tpu.dma_semaphore, #tpu.memory_space<semaphore_mem>>) src(%dma_wait3A_69 : memref<8192xi32, #tpu.memory_space<hbm>>) dst(%dma_wait3A_67 : memref<8192xi32, #tpu.memory_space<vmem>>)
    %dma_start3A_70 = arith.constant 1 : i32
    %dma_start3A_71 = arith.constant 0 : i32
    %dma_start3A_72 = arith.constant 0 : i32
    %dma_start3A_73 = tpu.memref_slice %arg5[%dma_start3A_70, %dma_start3A_71, %dma_start3A_72] : memref<2x1x8192xf32, #tpu.memory_space<vmem>> -> memref<1x1x8192xf32, #tpu.memory_space<vmem>>
    %dma_start3A_74 = tpu.memref_squeeze %dma_start3A_73 : memref<1x1x8192xf32, #tpu.memory_space<vmem>> -> memref<1x8192xf32, #tpu.memory_space<vmem>>
    %dma_start3A_75 = arith.constant 8192 : i32
    %dma_start3A_76 = tpu.memref_slice %arg2[%add3A_4, %dma_start3A_75] : memref<256x32768xf32, #tpu.memory_space<hbm>> -> memref<1x8192xf32, #tpu.memory_space<hbm>>
    %dma_start3A_77 = arith.constant 0 : i32
    %dma_start3A_78 = arith.constant 0 : i32
    %dma_start3A_79 = tpu.memref_slice %arg5[%dma_start3A_70, %dma_start3A_77, %dma_start3A_78] : memref<2x1x8192xf32, #tpu.memory_space<vmem>> -> memref<1x1x8192xf32, #tpu.memory_space<vmem>>
    %dma_start3A_80 = tpu.memref_squeeze %dma_start3A_79 : memref<1x1x8192xf32, #tpu.memory_space<vmem>> -> memref<1x8192xf32, #tpu.memory_space<vmem>>
    %dma_start3A_81 = arith.constant 8192 : i32
    %dma_start3A_82 = tpu.memref_slice %arg2[%add3A_4, %dma_start3A_81] : memref<256x32768xf32, #tpu.memory_space<hbm>> -> memref<1x8192xf32, #tpu.memory_space<hbm>>
    tpu.enqueue_dma source(%dma_start3A_82 : memref<1x8192xf32, #tpu.memory_space<hbm>>) target(%dma_start3A_80 : memref<1x8192xf32, #tpu.memory_space<vmem>>) target_semaphore(%arg16 : memref<!tpu.dma_semaphore, #tpu.memory_space<semaphore_mem>>)
    %dma_start3A_83 = arith.constant 1 : i32
    %dma_start3A_84 = arith.constant 0 : i32
    %dma_start3A_85 = tpu.memref_slice %arg6[%dma_start3A_83, %dma_start3A_84] : memref<2x8192xi32, #tpu.memory_space<vmem>> -> memref<1x8192xi32, #tpu.memory_space<vmem>>
    %dma_start3A_86 = tpu.memref_squeeze %dma_start3A_85 : memref<1x8192xi32, #tpu.memory_space<vmem>> -> memref<8192xi32, #tpu.memory_space<vmem>>
    %dma_start3A_87 = arith.constant 8192 : i32
    %dma_start3A_88 = tpu.memref_slice %arg3[%dma_start3A_87] : memref<32768xi32, #tpu.memory_space<hbm>> -> memref<8192xi32, #tpu.memory_space<hbm>>
    %dma_start3A_89 = arith.constant 0 : i32
    %dma_start3A_90 = tpu.memref_slice %arg6[%dma_start3A_83, %dma_start3A_89] : memref<2x8192xi32, #tpu.memory_space<vmem>> -> memref<1x8192xi32, #tpu.memory_space<vmem>>
    %dma_start3A_91 = tpu.memref_squeeze %dma_start3A_90 : memref<1x8192xi32, #tpu.memory_space<vmem>> -> memref<8192xi32, #tpu.memory_space<vmem>>
    %dma_start3A_92 = arith.constant 8192 : i32
    %dma_start3A_93 = tpu.memref_slice %arg3[%dma_start3A_92] : memref<32768xi32, #tpu.memory_space<hbm>> -> memref<8192xi32, #tpu.memory_space<hbm>>
    tpu.enqueue_dma source(%dma_start3A_93 : memref<8192xi32, #tpu.memory_space<hbm>>) target(%dma_start3A_91 : memref<8192xi32, #tpu.memory_space<vmem>>) target_semaphore(%arg18 : memref<!tpu.dma_semaphore, #tpu.memory_space<semaphore_mem>>)
    %parallel_loop3A = arith.constant 0 : i32
    %parallel_loop3A_94 = arith.constant 512 : i32
    %parallel_loop3A_95 = arith.constant 1 : i32
    scf.for %parallel_loop3A_289 = %parallel_loop3A to %parallel_loop3A_94 step %parallel_loop3A_95  : i32 {
      %parallel_loop3A_290 = arith.constant 16 : i32
      %parallel_loop3A_291 = arith.muli %parallel_loop3A_289, %parallel_loop3A_290 : i32
      %parallel_loop3A_292 = arith.constant 0 : i32
      %parallel_loop3A_293 = arith.index_cast %parallel_loop3A_292 : i32 to index
      %parallel_loop3A_294 = arith.index_cast %parallel_loop3A_291 : i32 to index
      %parallel_loop3A_295 = tpu.vector_load %arg6[%parallel_loop3A_293, %parallel_loop3A_294] {strides = array<i32>} : memref<2x8192xi32, #tpu.memory_space<vmem>>, vector<16xi32>,
      %parallel_loop3A_296 = arith.addi %parallel_loop3A_295, %mul3A_10 : vector<16xi32>
      %parallel_loop3A_297 = arith.constant 16 : i32
      %parallel_loop3A_298 = arith.muli %parallel_loop3A_289, %parallel_loop3A_297 : i32
      %parallel_loop3A_299 = arith.constant 0 : i32
      %parallel_loop3A_300 = arith.constant 0 : i32
      %parallel_loop3A_301 = arith.index_cast %parallel_loop3A_299 : i32 to index
      %parallel_loop3A_302 = arith.index_cast %parallel_loop3A_300 : i32 to index
      %parallel_loop3A_303 = arith.index_cast %parallel_loop3A_298 : i32 to index
      %parallel_loop3A_304 = tpu.vector_load %arg5[%parallel_loop3A_301, %parallel_loop3A_302, %parallel_loop3A_303] {strides = array<i32>} : memref<2x1x8192xf32, #tpu.memory_space<vmem>>, vector<16xf32>,
      %parallel_loop3A_305 = arith.constant 0 : i32
      %parallel_loop3A_306 = vector.broadcast %parallel_loop3A_305 : i32 to vector<16xi32>
      %parallel_loop3A_307 = arith.addi %parallel_loop3A_296, %parallel_loop3A_306 : vector<16xi32>
      tpu.vector_store_idx %arg7[%parallel_loop3A_307], %parallel_loop3A_304 {add = true} : memref<256xf32, #tpu.memory_space<vmem>>[vector<16xi32>], vector<16xf32>,
    } {sc.loop_unroll_factor = 4 : i64, sc.parallel_access}
    %scan3A_96 = arith.constant 0 : i32
    %scan3A_97 = arith.constant 0 : i32
    %scan3A_98 = arith.constant 32 : i32
    %scan3A_99 = arith.addi %scan3A_97, %scan3A_98 : i32
    %scan3A_100 = arith.constant 1 : i32
    %scan3A_101 = scf.for %scan3A_289 = %scan3A_97 to %scan3A_99 step %scan3A_100 iter_args(%scan3A_290 = %scan3A_96) -> (i32)  : i32 {
      %mul3A_291 = arith.constant 32 : i32
      %mul3A_292 = arith.muli %arg1, %mul3A_291 : i32
      %add3A_293 = arith.addi %mul3A_292, %scan3A_289 : i32
      %mul3A_294 = arith.constant 16 : i32
      %mul3A_295 = arith.muli %add3A_293, %mul3A_294 : i32
      %get3A_296 = arith.constant 0 : i32
      %get3A_297 = arith.index_cast %get3A_296 : i32 to index
      %get3A_298 = arith.index_cast %mul3A_295 : i32 to index
      %get3A_299 = tpu.vector_load %arg6[%get3A_297, %get3A_298] {strides = array<i32>} : memref<2x8192xi32, #tpu.memory_space<vmem>>, vector<16xi32>,
      %add3A_300 = arith.addi %get3A_299, %mul3A_10 : vector<16xi32>
      tpu.vector_store_idx %arg8[%add3A_300], %broadcast_in_dim3A_7 {add = true} : memref<256xf32, #tpu.memory_space<vmem>>[vector<16xi32>], vector<16xf32>,
      %scan3A_301 = arith.constant 0 : i32
      scf.yield %scan3A_301 : i32
    }
    %scan3A_102 = arith.constant 32 : i32
    %dma_wait3A_103 = arith.constant 1 : i32
    %dma_wait3A_104 = arith.constant 0 : i32
    %dma_wait3A_105 = arith.constant 0 : i32
    %dma_wait3A_106 = tpu.memref_slice %arg5[%dma_wait3A_103, %dma_wait3A_104, %dma_wait3A_105] : memref<2x1x8192xf32, #tpu.memory_space<vmem>> -> memref<1x1x8192xf32, #tpu.memory_space<vmem>>
    %dma_wait3A_107 = tpu.memref_squeeze %dma_wait3A_106 : memref<1x1x8192xf32, #tpu.memory_space<vmem>> -> memref<1x8192xf32, #tpu.memory_space<vmem>>
    %dma_wait3A_108 = arith.constant 8192 : i32
    %dma_wait3A_109 = tpu.memref_slice %arg2[%add3A_4, %dma_wait3A_108] : memref<256x32768xf32, #tpu.memory_space<hbm>> -> memref<1x8192xf32, #tpu.memory_space<hbm>>
    %dma_wait3A_110 = arith.constant 0 : i32
    %dma_wait3A_111 = arith.constant 0 : i32
    %dma_wait3A_112 = tpu.memref_slice %arg5[%dma_wait3A_103, %dma_wait3A_110, %dma_wait3A_111] : memref<2x1x8192xf32, #tpu.memory_space<vmem>> -> memref<1x1x8192xf32, #tpu.memory_space<vmem>>
    %dma_wait3A_113 = tpu.memref_squeeze %dma_wait3A_112 : memref<1x1x8192xf32, #tpu.memory_space<vmem>> -> memref<1x8192xf32, #tpu.memory_space<vmem>>
    %dma_wait3A_114 = arith.constant 8192 : i32
    %dma_wait3A_115 = tpu.memref_slice %arg2[%add3A_4, %dma_wait3A_114] : memref<256x32768xf32, #tpu.memory_space<hbm>> -> memref<1x8192xf32, #tpu.memory_space<hbm>>
    tpu.wait_dma2 semaphore(%arg16 : memref<!tpu.dma_semaphore, #tpu.memory_space<semaphore_mem>>) src(%dma_wait3A_115 : memref<1x8192xf32, #tpu.memory_space<hbm>>) dst(%dma_wait3A_113 : memref<1x8192xf32, #tpu.memory_space<vmem>>)
    %dma_wait3A_116 = arith.constant 1 : i32
    %dma_wait3A_117 = arith.constant 0 : i32
    %dma_wait3A_118 = tpu.memref_slice %arg6[%dma_wait3A_116, %dma_wait3A_117] : memref<2x8192xi32, #tpu.memory_space<vmem>> -> memref<1x8192xi32, #tpu.memory_space<vmem>>
    %dma_wait3A_119 = tpu.memref_squeeze %dma_wait3A_118 : memref<1x8192xi32, #tpu.memory_space<vmem>> -> memref<8192xi32, #tpu.memory_space<vmem>>
    %dma_wait3A_120 = arith.constant 8192 : i32
    %dma_wait3A_121 = tpu.memref_slice %arg3[%dma_wait3A_120] : memref<32768xi32, #tpu.memory_space<hbm>> -> memref<8192xi32, #tpu.memory_space<hbm>>
    %dma_wait3A_122 = arith.constant 0 : i32
    %dma_wait3A_123 = tpu.memref_slice %arg6[%dma_wait3A_116, %dma_wait3A_122] : memref<2x8192xi32, #tpu.memory_space<vmem>> -> memref<1x8192xi32, #tpu.memory_space<vmem>>
    %dma_wait3A_124 = tpu.memref_squeeze %dma_wait3A_123 : memref<1x8192xi32, #tpu.memory_space<vmem>> -> memref<8192xi32, #tpu.memory_space<vmem>>
    %dma_wait3A_125 = arith.constant 8192 : i32
    %dma_wait3A_126 = tpu.memref_slice %arg3[%dma_wait3A_125] : memref<32768xi32, #tpu.memory_space<hbm>> -> memref<8192xi32, #tpu.memory_space<hbm>>
    tpu.wait_dma2 semaphore(%arg18 : memref<!tpu.dma_semaphore, #tpu.memory_space<semaphore_mem>>) src(%dma_wait3A_126 : memref<8192xi32, #tpu.memory_space<hbm>>) dst(%dma_wait3A_124 : memref<8192xi32, #tpu.memory_space<vmem>>)
    %dma_start3A_127 = arith.constant 0 : i32
    %dma_start3A_128 = arith.constant 0 : i32
    %dma_start3A_129 = arith.constant 0 : i32
    %dma_start3A_130 = tpu.memref_slice %arg5[%dma_start3A_127, %dma_start3A_128, %dma_start3A_129] : memref<2x1x8192xf32, #tpu.memory_space<vmem>> -> memref<1x1x8192xf32, #tpu.memory_space<vmem>>
    %dma_start3A_131 = tpu.memref_squeeze %dma_start3A_130 : memref<1x1x8192xf32, #tpu.memory_space<vmem>> -> memref<1x8192xf32, #tpu.memory_space<vmem>>
    %dma_start3A_132 = arith.constant 16384 : i32
    %dma_start3A_133 = tpu.memref_slice %arg2[%add3A_4, %dma_start3A_132] : memref<256x32768xf32, #tpu.memory_space<hbm>> -> memref<1x8192xf32, #tpu.memory_space<hbm>>
    %dma_start3A_134 = arith.constant 0 : i32
    %dma_start3A_135 = arith.constant 0 : i32
    %dma_start3A_136 = tpu.memref_slice %arg5[%dma_start3A_127, %dma_start3A_134, %dma_start3A_135] : memref<2x1x8192xf32, #tpu.memory_space<vmem>> -> memref<1x1x8192xf32, #tpu.memory_space<vmem>>
    %dma_start3A_137 = tpu.memref_squeeze %dma_start3A_136 : memref<1x1x8192xf32, #tpu.memory_space<vmem>> -> memref<1x8192xf32, #tpu.memory_space<vmem>>
    %dma_start3A_138 = arith.constant 16384 : i32
    %dma_start3A_139 = tpu.memref_slice %arg2[%add3A_4, %dma_start3A_138] : memref<256x32768xf32, #tpu.memory_space<hbm>> -> memref<1x8192xf32, #tpu.memory_space<hbm>>
    tpu.enqueue_dma source(%dma_start3A_139 : memref<1x8192xf32, #tpu.memory_space<hbm>>) target(%dma_start3A_137 : memref<1x8192xf32, #tpu.memory_space<vmem>>) target_semaphore(%arg15 : memref<!tpu.dma_semaphore, #tpu.memory_space<semaphore_mem>>)
    %dma_start3A_140 = arith.constant 0 : i32
    %dma_start3A_141 = arith.constant 0 : i32
    %dma_start3A_142 = tpu.memref_slice %arg6[%dma_start3A_140, %dma_start3A_141] : memref<2x8192xi32, #tpu.memory_space<vmem>> -> memref<1x8192xi32, #tpu.memory_space<vmem>>
    %dma_start3A_143 = tpu.memref_squeeze %dma_start3A_142 : memref<1x8192xi32, #tpu.memory_space<vmem>> -> memref<8192xi32, #tpu.memory_space<vmem>>
    %dma_start3A_144 = arith.constant 16384 : i32
    %dma_start3A_145 = tpu.memref_slice %arg3[%dma_start3A_144] : memref<32768xi32, #tpu.memory_space<hbm>> -> memref<8192xi32, #tpu.memory_space<hbm>>
    %dma_start3A_146 = arith.constant 0 : i32
    %dma_start3A_147 = tpu.memref_slice %arg6[%dma_start3A_140, %dma_start3A_146] : memref<2x8192xi32, #tpu.memory_space<vmem>> -> memref<1x8192xi32, #tpu.memory_space<vmem>>
    %dma_start3A_148 = tpu.memref_squeeze %dma_start3A_147 : memref<1x8192xi32, #tpu.memory_space<vmem>> -> memref<8192xi32, #tpu.memory_space<vmem>>
    %dma_start3A_149 = arith.constant 16384 : i32
    %dma_start3A_150 = tpu.memref_slice %arg3[%dma_start3A_149] : memref<32768xi32, #tpu.memory_space<hbm>> -> memref<8192xi32, #tpu.memory_space<hbm>>
    tpu.enqueue_dma source(%dma_start3A_150 : memref<8192xi32, #tpu.memory_space<hbm>>) target(%dma_start3A_148 : memref<8192xi32, #tpu.memory_space<vmem>>) target_semaphore(%arg17 : memref<!tpu.dma_semaphore, #tpu.memory_space<semaphore_mem>>)
    %parallel_loop3A_151 = arith.constant 0 : i32
    %parallel_loop3A_152 = arith.constant 512 : i32
    %parallel_loop3A_153 = arith.constant 1 : i32
    scf.for %parallel_loop3A_289 = %parallel_loop3A_151 to %parallel_loop3A_152 step %parallel_loop3A_153  : i32 {
      %parallel_loop3A_290 = arith.constant 16 : i32
      %parallel_loop3A_291 = arith.muli %parallel_loop3A_289, %parallel_loop3A_290 : i32
      %parallel_loop3A_292 = arith.constant 1 : i32
      %parallel_loop3A_293 = arith.index_cast %parallel_loop3A_292 : i32 to index
      %parallel_loop3A_294 = arith.index_cast %parallel_loop3A_291 : i32 to index
      %parallel_loop3A_295 = tpu.vector_load %arg6[%parallel_loop3A_293, %parallel_loop3A_294] {strides = array<i32>} : memref<2x8192xi32, #tpu.memory_space<vmem>>, vector<16xi32>,
      %parallel_loop3A_296 = arith.addi %parallel_loop3A_295, %mul3A_10 : vector<16xi32>
      %parallel_loop3A_297 = arith.constant 16 : i32
      %parallel_loop3A_298 = arith.muli %parallel_loop3A_289, %parallel_loop3A_297 : i32
      %parallel_loop3A_299 = arith.constant 1 : i32
      %parallel_loop3A_300 = arith.constant 0 : i32
      %parallel_loop3A_301 = arith.index_cast %parallel_loop3A_299 : i32 to index
      %parallel_loop3A_302 = arith.index_cast %parallel_loop3A_300 : i32 to index
      %parallel_loop3A_303 = arith.index_cast %parallel_loop3A_298 : i32 to index
      %parallel_loop3A_304 = tpu.vector_load %arg5[%parallel_loop3A_301, %parallel_loop3A_302, %parallel_loop3A_303] {strides = array<i32>} : memref<2x1x8192xf32, #tpu.memory_space<vmem>>, vector<16xf32>,
      %parallel_loop3A_305 = arith.constant 0 : i32
      %parallel_loop3A_306 = vector.broadcast %parallel_loop3A_305 : i32 to vector<16xi32>
      %parallel_loop3A_307 = arith.addi %parallel_loop3A_296, %parallel_loop3A_306 : vector<16xi32>
      tpu.vector_store_idx %arg7[%parallel_loop3A_307], %parallel_loop3A_304 {add = true} : memref<256xf32, #tpu.memory_space<vmem>>[vector<16xi32>], vector<16xf32>,
    } {sc.loop_unroll_factor = 4 : i64, sc.parallel_access}
    %scan3A_154 = arith.constant 0 : i32
    %scan3A_155 = arith.constant 0 : i32
    %scan3A_156 = arith.constant 32 : i32
    %scan3A_157 = arith.addi %scan3A_155, %scan3A_156 : i32
    %scan3A_158 = arith.constant 1 : i32
    %scan3A_159 = scf.for %scan3A_289 = %scan3A_155 to %scan3A_157 step %scan3A_158 iter_args(%scan3A_290 = %scan3A_154) -> (i32)  : i32 {
      %mul3A_291 = arith.constant 32 : i32
      %mul3A_292 = arith.muli %arg1, %mul3A_291 : i32
      %add3A_293 = arith.addi %mul3A_292, %scan3A_289 : i32
      %mul3A_294 = arith.constant 16 : i32
      %mul3A_295 = arith.muli %add3A_293, %mul3A_294 : i32
      %get3A_296 = arith.constant 1 : i32
      %get3A_297 = arith.index_cast %get3A_296 : i32 to index
      %get3A_298 = arith.index_cast %mul3A_295 : i32 to index
      %get3A_299 = tpu.vector_load %arg6[%get3A_297, %get3A_298] {strides = array<i32>} : memref<2x8192xi32, #tpu.memory_space<vmem>>, vector<16xi32>,
      %add3A_300 = arith.addi %get3A_299, %mul3A_10 : vector<16xi32>
      tpu.vector_store_idx %arg8[%add3A_300], %broadcast_in_dim3A_7 {add = true} : memref<256xf32, #tpu.memory_space<vmem>>[vector<16xi32>], vector<16xf32>,
      %scan3A_301 = arith.constant 0 : i32
      scf.yield %scan3A_301 : i32
    }
    %scan3A_160 = arith.constant 32 : i32
    %dma_wait3A_161 = arith.constant 0 : i32
    %dma_wait3A_162 = arith.constant 0 : i32
    %dma_wait3A_163 = arith.constant 0 : i32
    %dma_wait3A_164 = tpu.memref_slice %arg5[%dma_wait3A_161, %dma_wait3A_162, %dma_wait3A_163] : memref<2x1x8192xf32, #tpu.memory_space<vmem>> -> memref<1x1x8192xf32, #tpu.memory_space<vmem>>
    %dma_wait3A_165 = tpu.memref_squeeze %dma_wait3A_164 : memref<1x1x8192xf32, #tpu.memory_space<vmem>> -> memref<1x8192xf32, #tpu.memory_space<vmem>>
    %dma_wait3A_166 = arith.constant 16384 : i32
    %dma_wait3A_167 = tpu.memref_slice %arg2[%add3A_4, %dma_wait3A_166] : memref<256x32768xf32, #tpu.memory_space<hbm>> -> memref<1x8192xf32, #tpu.memory_space<hbm>>
    %dma_wait3A_168 = arith.constant 0 : i32
    %dma_wait3A_169 = arith.constant 0 : i32
    %dma_wait3A_170 = tpu.memref_slice %arg5[%dma_wait3A_161, %dma_wait3A_168, %dma_wait3A_169] : memref<2x1x8192xf32, #tpu.memory_space<vmem>> -> memref<1x1x8192xf32, #tpu.memory_space<vmem>>
    %dma_wait3A_171 = tpu.memref_squeeze %dma_wait3A_170 : memref<1x1x8192xf32, #tpu.memory_space<vmem>> -> memref<1x8192xf32, #tpu.memory_space<vmem>>
    %dma_wait3A_172 = arith.constant 16384 : i32
    %dma_wait3A_173 = tpu.memref_slice %arg2[%add3A_4, %dma_wait3A_172] : memref<256x32768xf32, #tpu.memory_space<hbm>> -> memref<1x8192xf32, #tpu.memory_space<hbm>>
    tpu.wait_dma2 semaphore(%arg15 : memref<!tpu.dma_semaphore, #tpu.memory_space<semaphore_mem>>) src(%dma_wait3A_173 : memref<1x8192xf32, #tpu.memory_space<hbm>>) dst(%dma_wait3A_171 : memref<1x8192xf32, #tpu.memory_space<vmem>>)
    %dma_wait3A_174 = arith.constant 0 : i32
    %dma_wait3A_175 = arith.constant 0 : i32
    %dma_wait3A_176 = tpu.memref_slice %arg6[%dma_wait3A_174, %dma_wait3A_175] : memref<2x8192xi32, #tpu.memory_space<vmem>> -> memref<1x8192xi32, #tpu.memory_space<vmem>>
    %dma_wait3A_177 = tpu.memref_squeeze %dma_wait3A_176 : memref<1x8192xi32, #tpu.memory_space<vmem>> -> memref<8192xi32, #tpu.memory_space<vmem>>
    %dma_wait3A_178 = arith.constant 16384 : i32
    %dma_wait3A_179 = tpu.memref_slice %arg3[%dma_wait3A_178] : memref<32768xi32, #tpu.memory_space<hbm>> -> memref<8192xi32, #tpu.memory_space<hbm>>
    %dma_wait3A_180 = arith.constant 0 : i32
    %dma_wait3A_181 = tpu.memref_slice %arg6[%dma_wait3A_174, %dma_wait3A_180] : memref<2x8192xi32, #tpu.memory_space<vmem>> -> memref<1x8192xi32, #tpu.memory_space<vmem>>
    %dma_wait3A_182 = tpu.memref_squeeze %dma_wait3A_181 : memref<1x8192xi32, #tpu.memory_space<vmem>> -> memref<8192xi32, #tpu.memory_space<vmem>>
    %dma_wait3A_183 = arith.constant 16384 : i32
    %dma_wait3A_184 = tpu.memref_slice %arg3[%dma_wait3A_183] : memref<32768xi32, #tpu.memory_space<hbm>> -> memref<8192xi32, #tpu.memory_space<hbm>>
    tpu.wait_dma2 semaphore(%arg17 : memref<!tpu.dma_semaphore, #tpu.memory_space<semaphore_mem>>) src(%dma_wait3A_184 : memref<8192xi32, #tpu.memory_space<hbm>>) dst(%dma_wait3A_182 : memref<8192xi32, #tpu.memory_space<vmem>>)
    %dma_start3A_185 = arith.constant 1 : i32
    %dma_start3A_186 = arith.constant 0 : i32
    %dma_start3A_187 = arith.constant 0 : i32
    %dma_start3A_188 = tpu.memref_slice %arg5[%dma_start3A_185, %dma_start3A_186, %dma_start3A_187] : memref<2x1x8192xf32, #tpu.memory_space<vmem>> -> memref<1x1x8192xf32, #tpu.memory_space<vmem>>
    %dma_start3A_189 = tpu.memref_squeeze %dma_start3A_188 : memref<1x1x8192xf32, #tpu.memory_space<vmem>> -> memref<1x8192xf32, #tpu.memory_space<vmem>>
    %dma_start3A_190 = arith.constant 24576 : i32
    %dma_start3A_191 = tpu.memref_slice %arg2[%add3A_4, %dma_start3A_190] : memref<256x32768xf32, #tpu.memory_space<hbm>> -> memref<1x8192xf32, #tpu.memory_space<hbm>>
    %dma_start3A_192 = arith.constant 0 : i32
    %dma_start3A_193 = arith.constant 0 : i32
    %dma_start3A_194 = tpu.memref_slice %arg5[%dma_start3A_185, %dma_start3A_192, %dma_start3A_193] : memref<2x1x8192xf32, #tpu.memory_space<vmem>> -> memref<1x1x8192xf32, #tpu.memory_space<vmem>>
    %dma_start3A_195 = tpu.memref_squeeze %dma_start3A_194 : memref<1x1x8192xf32, #tpu.memory_space<vmem>> -> memref<1x8192xf32, #tpu.memory_space<vmem>>
    %dma_start3A_196 = arith.constant 24576 : i32
    %dma_start3A_197 = tpu.memref_slice %arg2[%add3A_4, %dma_start3A_196] : memref<256x32768xf32, #tpu.memory_space<hbm>> -> memref<1x8192xf32, #tpu.memory_space<hbm>>
    tpu.enqueue_dma source(%dma_start3A_197 : memref<1x8192xf32, #tpu.memory_space<hbm>>) target(%dma_start3A_195 : memref<1x8192xf32, #tpu.memory_space<vmem>>) target_semaphore(%arg16 : memref<!tpu.dma_semaphore, #tpu.memory_space<semaphore_mem>>)
    %dma_start3A_198 = arith.constant 1 : i32
    %dma_start3A_199 = arith.constant 0 : i32
    %dma_start3A_200 = tpu.memref_slice %arg6[%dma_start3A_198, %dma_start3A_199] : memref<2x8192xi32, #tpu.memory_space<vmem>> -> memref<1x8192xi32, #tpu.memory_space<vmem>>
    %dma_start3A_201 = tpu.memref_squeeze %dma_start3A_200 : memref<1x8192xi32, #tpu.memory_space<vmem>> -> memref<8192xi32, #tpu.memory_space<vmem>>
    %dma_start3A_202 = arith.constant 24576 : i32
    %dma_start3A_203 = tpu.memref_slice %arg3[%dma_start3A_202] : memref<32768xi32, #tpu.memory_space<hbm>> -> memref<8192xi32, #tpu.memory_space<hbm>>
    %dma_start3A_204 = arith.constant 0 : i32
    %dma_start3A_205 = tpu.memref_slice %arg6[%dma_start3A_198, %dma_start3A_204] : memref<2x8192xi32, #tpu.memory_space<vmem>> -> memref<1x8192xi32, #tpu.memory_space<vmem>>
    %dma_start3A_206 = tpu.memref_squeeze %dma_start3A_205 : memref<1x8192xi32, #tpu.memory_space<vmem>> -> memref<8192xi32, #tpu.memory_space<vmem>>
    %dma_start3A_207 = arith.constant 24576 : i32
    %dma_start3A_208 = tpu.memref_slice %arg3[%dma_start3A_207] : memref<32768xi32, #tpu.memory_space<hbm>> -> memref<8192xi32, #tpu.memory_space<hbm>>
    tpu.enqueue_dma source(%dma_start3A_208 : memref<8192xi32, #tpu.memory_space<hbm>>) target(%dma_start3A_206 : memref<8192xi32, #tpu.memory_space<vmem>>) target_semaphore(%arg18 : memref<!tpu.dma_semaphore, #tpu.memory_space<semaphore_mem>>)
    %parallel_loop3A_209 = arith.constant 0 : i32
    %parallel_loop3A_210 = arith.constant 512 : i32
    %parallel_loop3A_211 = arith.constant 1 : i32
    scf.for %parallel_loop3A_289 = %parallel_loop3A_209 to %parallel_loop3A_210 step %parallel_loop3A_211  : i32 {
      %parallel_loop3A_290 = arith.constant 16 : i32
      %parallel_loop3A_291 = arith.muli %parallel_loop3A_289, %parallel_loop3A_290 : i32
      %parallel_loop3A_292 = arith.constant 0 : i32
      %parallel_loop3A_293 = arith.index_cast %parallel_loop3A_292 : i32 to index
      %parallel_loop3A_294 = arith.index_cast %parallel_loop3A_291 : i32 to index
      %parallel_loop3A_295 = tpu.vector_load %arg6[%parallel_loop3A_293, %parallel_loop3A_294] {strides = array<i32>} : memref<2x8192xi32, #tpu.memory_space<vmem>>, vector<16xi32>,
      %parallel_loop3A_296 = arith.addi %parallel_loop3A_295, %mul3A_10 : vector<16xi32>
      %parallel_loop3A_297 = arith.constant 16 : i32
      %parallel_loop3A_298 = arith.muli %parallel_loop3A_289, %parallel_loop3A_297 : i32
      %parallel_loop3A_299 = arith.constant 0 : i32
      %parallel_loop3A_300 = arith.constant 0 : i32
      %parallel_loop3A_301 = arith.index_cast %parallel_loop3A_299 : i32 to index
      %parallel_loop3A_302 = arith.index_cast %parallel_loop3A_300 : i32 to index
      %parallel_loop3A_303 = arith.index_cast %parallel_loop3A_298 : i32 to index
      %parallel_loop3A_304 = tpu.vector_load %arg5[%parallel_loop3A_301, %parallel_loop3A_302, %parallel_loop3A_303] {strides = array<i32>} : memref<2x1x8192xf32, #tpu.memory_space<vmem>>, vector<16xf32>,
      %parallel_loop3A_305 = arith.constant 0 : i32
      %parallel_loop3A_306 = vector.broadcast %parallel_loop3A_305 : i32 to vector<16xi32>
      %parallel_loop3A_307 = arith.addi %parallel_loop3A_296, %parallel_loop3A_306 : vector<16xi32>
      tpu.vector_store_idx %arg7[%parallel_loop3A_307], %parallel_loop3A_304 {add = true} : memref<256xf32, #tpu.memory_space<vmem>>[vector<16xi32>], vector<16xf32>,
    } {sc.loop_unroll_factor = 4 : i64, sc.parallel_access}
    %scan3A_212 = arith.constant 0 : i32
    %scan3A_213 = arith.constant 0 : i32
    %scan3A_214 = arith.constant 32 : i32
    %scan3A_215 = arith.addi %scan3A_213, %scan3A_214 : i32
    %scan3A_216 = arith.constant 1 : i32
    %scan3A_217 = scf.for %scan3A_289 = %scan3A_213 to %scan3A_215 step %scan3A_216 iter_args(%scan3A_290 = %scan3A_212) -> (i32)  : i32 {
      %mul3A_291 = arith.constant 32 : i32
      %mul3A_292 = arith.muli %arg1, %mul3A_291 : i32
      %add3A_293 = arith.addi %mul3A_292, %scan3A_289 : i32
      %mul3A_294 = arith.constant 16 : i32
      %mul3A_295 = arith.muli %add3A_293, %mul3A_294 : i32
      %get3A_296 = arith.constant 0 : i32
      %get3A_297 = arith.index_cast %get3A_296 : i32 to index
      %get3A_298 = arith.index_cast %mul3A_295 : i32 to index
      %get3A_299 = tpu.vector_load %arg6[%get3A_297, %get3A_298] {strides = array<i32>} : memref<2x8192xi32, #tpu.memory_space<vmem>>, vector<16xi32>,
      %add3A_300 = arith.addi %get3A_299, %mul3A_10 : vector<16xi32>
      tpu.vector_store_idx %arg8[%add3A_300], %broadcast_in_dim3A_7 {add = true} : memref<256xf32, #tpu.memory_space<vmem>>[vector<16xi32>], vector<16xf32>,
      %scan3A_301 = arith.constant 0 : i32
      scf.yield %scan3A_301 : i32
    }
    %scan3A_218 = arith.constant 32 : i32
    %dma_wait3A_219 = arith.constant 1 : i32
    %dma_wait3A_220 = arith.constant 0 : i32
    %dma_wait3A_221 = arith.constant 0 : i32
    %dma_wait3A_222 = tpu.memref_slice %arg5[%dma_wait3A_219, %dma_wait3A_220, %dma_wait3A_221] : memref<2x1x8192xf32, #tpu.memory_space<vmem>> -> memref<1x1x8192xf32, #tpu.memory_space<vmem>>
    %dma_wait3A_223 = tpu.memref_squeeze %dma_wait3A_222 : memref<1x1x8192xf32, #tpu.memory_space<vmem>> -> memref<1x8192xf32, #tpu.memory_space<vmem>>
    %dma_wait3A_224 = arith.constant 24576 : i32
    %dma_wait3A_225 = tpu.memref_slice %arg2[%add3A_4, %dma_wait3A_224] : memref<256x32768xf32, #tpu.memory_space<hbm>> -> memref<1x8192xf32, #tpu.memory_space<hbm>>
    %dma_wait3A_226 = arith.constant 0 : i32
    %dma_wait3A_227 = arith.constant 0 : i32
    %dma_wait3A_228 = tpu.memref_slice %arg5[%dma_wait3A_219, %dma_wait3A_226, %dma_wait3A_227] : memref<2x1x8192xf32, #tpu.memory_space<vmem>> -> memref<1x1x8192xf32, #tpu.memory_space<vmem>>
    %dma_wait3A_229 = tpu.memref_squeeze %dma_wait3A_228 : memref<1x1x8192xf32, #tpu.memory_space<vmem>> -> memref<1x8192xf32, #tpu.memory_space<vmem>>
    %dma_wait3A_230 = arith.constant 24576 : i32
    %dma_wait3A_231 = tpu.memref_slice %arg2[%add3A_4, %dma_wait3A_230] : memref<256x32768xf32, #tpu.memory_space<hbm>> -> memref<1x8192xf32, #tpu.memory_space<hbm>>
    tpu.wait_dma2 semaphore(%arg16 : memref<!tpu.dma_semaphore, #tpu.memory_space<semaphore_mem>>) src(%dma_wait3A_231 : memref<1x8192xf32, #tpu.memory_space<hbm>>) dst(%dma_wait3A_229 : memref<1x8192xf32, #tpu.memory_space<vmem>>)
    %dma_wait3A_232 = arith.constant 1 : i32
    %dma_wait3A_233 = arith.constant 0 : i32
    %dma_wait3A_234 = tpu.memref_slice %arg6[%dma_wait3A_232, %dma_wait3A_233] : memref<2x8192xi32, #tpu.memory_space<vmem>> -> memref<1x8192xi32, #tpu.memory_space<vmem>>
    %dma_wait3A_235 = tpu.memref_squeeze %dma_wait3A_234 : memref<1x8192xi32, #tpu.memory_space<vmem>> -> memref<8192xi32, #tpu.memory_space<vmem>>
    %dma_wait3A_236 = arith.constant 24576 : i32
    %dma_wait3A_237 = tpu.memref_slice %arg3[%dma_wait3A_236] : memref<32768xi32, #tpu.memory_space<hbm>> -> memref<8192xi32, #tpu.memory_space<hbm>>
    %dma_wait3A_238 = arith.constant 0 : i32
    %dma_wait3A_239 = tpu.memref_slice %arg6[%dma_wait3A_232, %dma_wait3A_238] : memref<2x8192xi32, #tpu.memory_space<vmem>> -> memref<1x8192xi32, #tpu.memory_space<vmem>>
    %dma_wait3A_240 = tpu.memref_squeeze %dma_wait3A_239 : memref<1x8192xi32, #tpu.memory_space<vmem>> -> memref<8192xi32, #tpu.memory_space<vmem>>
    %dma_wait3A_241 = arith.constant 24576 : i32
    %dma_wait3A_242 = tpu.memref_slice %arg3[%dma_wait3A_241] : memref<32768xi32, #tpu.memory_space<hbm>> -> memref<8192xi32, #tpu.memory_space<hbm>>
    tpu.wait_dma2 semaphore(%arg18 : memref<!tpu.dma_semaphore, #tpu.memory_space<semaphore_mem>>) src(%dma_wait3A_242 : memref<8192xi32, #tpu.memory_space<hbm>>) dst(%dma_wait3A_240 : memref<8192xi32, #tpu.memory_space<vmem>>)
    %parallel_loop3A_243 = arith.constant 0 : i32
    %parallel_loop3A_244 = arith.constant 512 : i32
    %parallel_loop3A_245 = arith.constant 1 : i32
    scf.for %parallel_loop3A_289 = %parallel_loop3A_243 to %parallel_loop3A_244 step %parallel_loop3A_245  : i32 {
      %parallel_loop3A_290 = arith.constant 16 : i32
      %parallel_loop3A_291 = arith.muli %parallel_loop3A_289, %parallel_loop3A_290 : i32
      %parallel_loop3A_292 = arith.constant 1 : i32
      %parallel_loop3A_293 = arith.index_cast %parallel_loop3A_292 : i32 to index
      %parallel_loop3A_294 = arith.index_cast %parallel_loop3A_291 : i32 to index
      %parallel_loop3A_295 = tpu.vector_load %arg6[%parallel_loop3A_293, %parallel_loop3A_294] {strides = array<i32>} : memref<2x8192xi32, #tpu.memory_space<vmem>>, vector<16xi32>,
      %parallel_loop3A_296 = arith.addi %parallel_loop3A_295, %mul3A_10 : vector<16xi32>
      %parallel_loop3A_297 = arith.constant 16 : i32
      %parallel_loop3A_298 = arith.muli %parallel_loop3A_289, %parallel_loop3A_297 : i32
      %parallel_loop3A_299 = arith.constant 1 : i32
      %parallel_loop3A_300 = arith.constant 0 : i32
      %parallel_loop3A_301 = arith.index_cast %parallel_loop3A_299 : i32 to index
      %parallel_loop3A_302 = arith.index_cast %parallel_loop3A_300 : i32 to index
      %parallel_loop3A_303 = arith.index_cast %parallel_loop3A_298 : i32 to index
      %parallel_loop3A_304 = tpu.vector_load %arg5[%parallel_loop3A_301, %parallel_loop3A_302, %parallel_loop3A_303] {strides = array<i32>} : memref<2x1x8192xf32, #tpu.memory_space<vmem>>, vector<16xf32>,
      %parallel_loop3A_305 = arith.constant 0 : i32
      %parallel_loop3A_306 = vector.broadcast %parallel_loop3A_305 : i32 to vector<16xi32>
      %parallel_loop3A_307 = arith.addi %parallel_loop3A_296, %parallel_loop3A_306 : vector<16xi32>
      tpu.vector_store_idx %arg7[%parallel_loop3A_307], %parallel_loop3A_304 {add = true} : memref<256xf32, #tpu.memory_space<vmem>>[vector<16xi32>], vector<16xf32>,
    } {sc.loop_unroll_factor = 4 : i64, sc.parallel_access}
    %scan3A_246 = arith.constant 0 : i32
    %scan3A_247 = arith.constant 0 : i32
    %scan3A_248 = arith.constant 32 : i32
    %scan3A_249 = arith.addi %scan3A_247, %scan3A_248 : i32
    %scan3A_250 = arith.constant 1 : i32
    %scan3A_251 = scf.for %scan3A_289 = %scan3A_247 to %scan3A_249 step %scan3A_250 iter_args(%scan3A_290 = %scan3A_246) -> (i32)  : i32 {
      %mul3A_291 = arith.constant 32 : i32
      %mul3A_292 = arith.muli %arg1, %mul3A_291 : i32
      %add3A_293 = arith.addi %mul3A_292, %scan3A_289 : i32
      %mul3A_294 = arith.constant 16 : i32
      %mul3A_295 = arith.muli %add3A_293, %mul3A_294 : i32
      %get3A_296 = arith.constant 1 : i32
      %get3A_297 = arith.index_cast %get3A_296 : i32 to index
      %get3A_298 = arith.index_cast %mul3A_295 : i32 to index
      %get3A_299 = tpu.vector_load %arg6[%get3A_297, %get3A_298] {strides = array<i32>} : memref<2x8192xi32, #tpu.memory_space<vmem>>, vector<16xi32>,
      %add3A_300 = arith.addi %get3A_299, %mul3A_10 : vector<16xi32>
      tpu.vector_store_idx %arg8[%add3A_300], %broadcast_in_dim3A_7 {add = true} : memref<256xf32, #tpu.memory_space<vmem>>[vector<16xi32>], vector<16xf32>,
      %scan3A_301 = arith.constant 0 : i32
      scf.yield %scan3A_301 : i32
    }
    %scan3A_252 = arith.constant 32 : i32
    %scan3A_253 = arith.constant 0 : i32
    %scan3A_254 = arith.constant 16 : i32
    %scan3A_255 = arith.addi %scan3A_253, %scan3A_254 : i32
    %scan3A_256 = arith.constant 1 : i32
    %scan3A_257 = scf.for %scan3A_289 = %scan3A_253 to %scan3A_255 step %scan3A_256 iter_args(%scan3A_290 = %broadcast_in_dim3A_5) -> (vector<16xf32>)  : i32 {
      %mul3A_291 = arith.constant 16 : i32
      %mul3A_292 = arith.muli %scan3A_289, %mul3A_291 : i32
      %get3A_293 = arith.index_cast %mul3A_292 : i32 to index
      %get3A_294 = tpu.vector_load %arg8[%get3A_293] {strides = array<i32>} : memref<256xf32, #tpu.memory_space<vmem>>, vector<16xf32>,
      %add3A_295 = arith.addf %scan3A_290, %get3A_294 : vector<16xf32>
      scf.yield %add3A_295 : vector<16xf32>
    }
    %scan3A_258 = arith.constant 16 : i32
    %swap3A = arith.constant 0 : index
    %swap3A_259 = tpu.vector_load %arg10[%swap3A] {strides = array<i32>} : memref<16xf32, #tpu.memory_space<vmem>>, vector<16xf32>,
    tpu.vector_store %arg10[%swap3A], %scan3A_257 {strides = array<i32>} : memref<16xf32, #tpu.memory_space<vmem>>, vector<16xf32>,
    "tpu.region"() ({
      %run_scoped3A = tpu.sem_alloc : memref<!tpu.dma_semaphore, #tpu.memory_space<semaphore_mem>>
      %dma_start3A_289 = arith.constant 0 : i32
      %dma_start3A_290 = tpu.memref_slice %arg14[%arg1, %dma_start3A_289] : memref<16x16xf32, #tpu.memory_space<vmem_shared>> -> memref<1x16xf32, #tpu.memory_space<vmem_shared>>
      %dma_start3A_291 = tpu.memref_squeeze %dma_start3A_290 : memref<1x16xf32, #tpu.memory_space<vmem_shared>> -> memref<16xf32, #tpu.memory_space<vmem_shared>>
      %dma_start3A_292 = arith.constant 0 : i32
      %dma_start3A_293 = tpu.memref_slice %arg14[%arg1, %dma_start3A_292] : memref<16x16xf32, #tpu.memory_space<vmem_shared>> -> memref<1x16xf32, #tpu.memory_space<vmem_shared>>
      %dma_start3A_294 = tpu.memref_squeeze %dma_start3A_293 : memref<1x16xf32, #tpu.memory_space<vmem_shared>> -> memref<16xf32, #tpu.memory_space<vmem_shared>>
      tpu.enqueue_dma source(%arg10 : memref<16xf32, #tpu.memory_space<vmem>>) target(%dma_start3A_294 : memref<16xf32, #tpu.memory_space<vmem_shared>>) target_semaphore(%run_scoped3A : memref<!tpu.dma_semaphore, #tpu.memory_space<semaphore_mem>>)
      %dma_wait3A_295 = arith.constant 0 : i32
      %dma_wait3A_296 = tpu.memref_slice %arg14[%arg1, %dma_wait3A_295] : memref<16x16xf32, #tpu.memory_space<vmem_shared>> -> memref<1x16xf32, #tpu.memory_space<vmem_shared>>
      %dma_wait3A_297 = tpu.memref_squeeze %dma_wait3A_296 : memref<1x16xf32, #tpu.memory_space<vmem_shared>> -> memref<16xf32, #tpu.memory_space<vmem_shared>>
      %dma_wait3A_298 = arith.constant 0 : i32
      %dma_wait3A_299 = tpu.memref_slice %arg14[%arg1, %dma_wait3A_298] : memref<16x16xf32, #tpu.memory_space<vmem_shared>> -> memref<1x16xf32, #tpu.memory_space<vmem_shared>>
      %dma_wait3A_300 = tpu.memref_squeeze %dma_wait3A_299 : memref<1x16xf32, #tpu.memory_space<vmem_shared>> -> memref<16xf32, #tpu.memory_space<vmem_shared>>
      tpu.wait_dma2 semaphore(%run_scoped3A : memref<!tpu.dma_semaphore, #tpu.memory_space<semaphore_mem>>) src(%arg10 : memref<16xf32, #tpu.memory_space<vmem>>) dst(%dma_wait3A_300 : memref<16xf32, #tpu.memory_space<vmem_shared>>)
      tpu.yield
    }) : () -> ()
    %barrier3A = arith.constant 0 : index
    tpu.barrier barrier_id(%barrier3A)
    "tpu.region"() ({
      %run_scoped3A = tpu.sem_alloc : memref<!tpu.dma_semaphore, #tpu.memory_space<semaphore_mem>>
      tpu.enqueue_dma source(%arg14 : memref<16x16xf32, #tpu.memory_space<vmem_shared>>) target(%arg11 : memref<16x16xf32, #tpu.memory_space<vmem>>) target_semaphore(%run_scoped3A : memref<!tpu.dma_semaphore, #tpu.memory_space<semaphore_mem>>)
      tpu.wait_dma2 semaphore(%run_scoped3A : memref<!tpu.dma_semaphore, #tpu.memory_space<semaphore_mem>>) src(%arg14 : memref<16x16xf32, #tpu.memory_space<vmem_shared>>) dst(%arg11 : memref<16x16xf32, #tpu.memory_space<vmem>>)
      tpu.yield
    }) : () -> ()
    %scan3A_260 = arith.constant 0 : i32
    %scan3A_261 = arith.constant 16 : i32
    %scan3A_262 = arith.addi %scan3A_260, %scan3A_261 : i32
    %scan3A_263 = arith.constant 1 : i32
    %scan3A_264 = scf.for %scan3A_289 = %scan3A_260 to %scan3A_262 step %scan3A_263 iter_args(%scan3A_290 = %broadcast_in_dim3A_5) -> (vector<16xf32>)  : i32 {
      %get3A_291 = arith.index_cast %scan3A_289 : i32 to index
      %get3A_292 = arith.constant 0 : index
      %get3A_293 = tpu.vector_load %arg11[%get3A_291, %get3A_292] {strides = array<i32>} : memref<16x16xf32, #tpu.memory_space<vmem>>, vector<16xf32>,
      %add3A_294 = arith.addf %scan3A_290, %get3A_293 : vector<16xf32>
      scf.yield %add3A_294 : vector<16xf32>
    }
    %scan3A_265 = arith.constant 16 : i32
    %gt3A = arith.constant 5.000000e-01 : f32
    %gt3A_266 = vector.broadcast %gt3A : f32 to vector<16xf32>
    %gt3A_267 = arith.cmpf ogt, %scan3A_264, %gt3A_266 : vector<16xf32>
    %convert_element_type3A = arith.extui %gt3A_267 : vector<16xi1> to vector<16xi32>
    %broadcast_in_dim3A_268 = arith.constant true
    %broadcast_in_dim3A_269 = vector.broadcast %broadcast_in_dim3A_268 : i1 to vector<16xi1>
    %masked_cumsum3A = tpu.scan <sum>, %convert_element_type3A masked %broadcast_in_dim3A_269 : vector<16xi32>, vector<16xi1> -> vector<16xi32>
    %sub3A = arith.constant 1 : i32
    %sub3A_270 = vector.broadcast %sub3A : i32 to vector<16xi32>
    %sub3A_271 = arith.subi %masked_cumsum3A, %sub3A_270 : vector<16xi32>
    %broadcast_in_dim3A_272 = arith.constant 0 : i32
    %broadcast_in_dim3A_273 = vector.broadcast %broadcast_in_dim3A_272 : i32 to vector<16xi32>
    %swap3A_274 = arith.constant 0 : index
    %swap3A_275 = tpu.vector_load %arg13[%swap3A_274] {strides = array<i32>} : memref<16xi32, #tpu.memory_space<vmem>>, vector<16xi32>,
    tpu.vector_store %arg13[%swap3A_274], %broadcast_in_dim3A_273 {strides = array<i32>} : memref<16xi32, #tpu.memory_space<vmem>>, vector<16xi32>,
    tpu.vector_store_idx %arg13[%sub3A_271], %iota3A masked %gt3A_267 : memref<16xi32, #tpu.memory_space<vmem>>[vector<16xi32>], vector<16xi32>, vector<16xi1>
    %get3A = arith.constant 0 : index
    %get3A_276 = tpu.vector_load %arg13[%get3A] {strides = array<i32>} : memref<16xi32, #tpu.memory_space<vmem>>, vector<16xi32>,
    %scan3A_277 = arith.constant 0 : i32
    %scan3A_278 = arith.constant 16 : i32
    %scan3A_279 = arith.addi %scan3A_277, %scan3A_278 : i32
    %scan3A_280 = arith.constant 1 : i32
    %scan3A_281 = scf.for %scan3A_289 = %scan3A_277 to %scan3A_279 step %scan3A_280 iter_args(%scan3A_290 = %broadcast_in_dim3A_5) -> (vector<16xf32>)  : i32 {
      %mul3A_291 = arith.constant 16 : i32
      %mul3A_292 = arith.muli %scan3A_289, %mul3A_291 : i32
      %add3A_293 = arith.constant 0 : i32
      %add3A_294 = arith.addi %add3A_293, %mul3A_292 : i32
      %get3A_295 = arith.index_cast %add3A_294 : i32 to index
      %get3A_296 = tpu.vector_load %arg7[%get3A_295] {strides = array<i32>} : memref<256xf32, #tpu.memory_space<vmem>>, vector<16xf32>,
      %add3A_297 = arith.addf %scan3A_290, %get3A_296 : vector<16xf32>
      scf.yield %add3A_297 : vector<16xf32>
    }
    %scan3A_282 = arith.constant 16 : i32
    %swap3A_283 = arith.constant 0 : index
    %swap3A_284 = tpu.vector_load %arg12[%swap3A_283] {strides = array<i32>} : memref<16xf32, #tpu.memory_space<vmem>>, vector<16xf32>,
    tpu.vector_store %arg12[%swap3A_283], %scan3A_281 {strides = array<i32>} : memref<16xf32, #tpu.memory_space<vmem>>, vector<16xf32>,
    %gather3A = tpu.vector_load_idx %arg12[%get3A_276] : memref<16xf32, #tpu.memory_space<vmem>>[vector<16xi32>], vector<16xf32>,
    %swap3A_285 = arith.constant 0 : i32
    %swap3A_286 = arith.index_cast %swap3A_285 : i32 to index
    %swap3A_287 = arith.constant 0 : index
    %swap3A_288 = tpu.vector_load %arg9[%swap3A_286, %swap3A_287] {strides = array<i32>} : memref<1x16xf32, #tpu.memory_space<vmem>>, vector<16xf32>,
    tpu.vector_store %arg9[%swap3A_286, %swap3A_287], %gather3A {strides = array<i32>} : memref<1x16xf32, #tpu.memory_space<vmem>>, vector<16xf32>,
    "tpu.region"() ({
      %run_scoped3A = tpu.sem_alloc : memref<!tpu.dma_semaphore, #tpu.memory_space<semaphore_mem>>
      %dma_start3A_289 = arith.constant 0 : i32
      %dma_start3A_290 = tpu.memref_slice %arg4[%mul3A_2, %dma_start3A_289] : memref<32x16xf32, #tpu.memory_space<hbm>> -> memref<1x16xf32, #tpu.memory_space<hbm>>
      %dma_start3A_291 = arith.constant 0 : i32
      %dma_start3A_292 = tpu.memref_slice %arg4[%mul3A_2, %dma_start3A_291] : memref<32x16xf32, #tpu.memory_space<hbm>> -> memref<1x16xf32, #tpu.memory_space<hbm>>
      tpu.enqueue_dma source(%arg9 : memref<1x16xf32, #tpu.memory_space<vmem>>) target(%dma_start3A_292 : memref<1x16xf32, #tpu.memory_space<hbm>>) target_semaphore(%run_scoped3A : memref<!tpu.dma_semaphore, #tpu.memory_space<semaphore_mem>>)
      %dma_wait3A_293 = arith.constant 0 : i32
      %dma_wait3A_294 = tpu.memref_slice %arg4[%mul3A_2, %dma_wait3A_293] : memref<32x16xf32, #tpu.memory_space<hbm>> -> memref<1x16xf32, #tpu.memory_space<hbm>>
      %dma_wait3A_295 = arith.constant 0 : i32
      %dma_wait3A_296 = tpu.memref_slice %arg4[%mul3A_2, %dma_wait3A_295] : memref<32x16xf32, #tpu.memory_space<hbm>> -> memref<1x16xf32, #tpu.memory_space<hbm>>
      tpu.wait_dma2 semaphore(%run_scoped3A : memref<!tpu.dma_semaphore, #tpu.memory_space<semaphore_mem>>) src(%arg9 : memref<1x16xf32, #tpu.memory_space<vmem>>) dst(%dma_wait3A_296 : memref<1x16xf32, #tpu.memory_space<hbm>>)
      tpu.yield
    }) : () -> ()
    return
  }
}

module attributes {stable_mosaic.version = 14 : i64} {
  func.func @_tc_body(%arg0: i32, %arg1: memref<1x8192xi32, #tpu.memory_space<vmem>>, %arg2: memref<224x8192xf32, #tpu.memory_space<vmem>>, %arg3: memref<224x16xf32, #tpu.memory_space<vmem>>, %arg4: memref<224x128xf32, #tpu.memory_space<vmem>>, %arg5: memref<16x1xf32, #tpu.memory_space<vmem>>) attributes {dimension_semantics = [#tpu.dimension_semantics<arbitrary>], iteration_bounds = array<i64: 4>, scalar_prefetch = 0 : i64, scratch_operands = 2 : i64, tpu.core_type = #tpu.core_type<tc>, window_params = [{transform_indices = @transform_0, window_bounds = array<i64: 1, 8192>}, {transform_indices = @transform_1, window_bounds = array<i64: 224, 8192>}, {pipeline_mode = #tpu.pipeline_mode<synchronous>, transform_indices = @transform_2, window_bounds = array<i64: 224, 16>}]} {
    %eq3A = arith.constant 0 : i32
    %eq3A_0 = arith.cmpi eq, %arg0, %eq3A : i32
    %convert_element_type3A = arith.extui %eq3A_0 : i1 to i32
    %cond3A = arith.constant 0 : i32
    %cond3A_1 = arith.cmpi ne, %convert_element_type3A, %cond3A : i32
    scf.if %cond3A_1 {
      %broadcast_in_dim3A_66 = arith.constant 0.000000e+00 : f32
      %broadcast_in_dim3A_67 = vector.broadcast %broadcast_in_dim3A_66 : f32 to vector<224x128xf32>
      %swap3A_68 = arith.constant 0 : index
      %swap3A_69 = arith.constant 0 : index
      %swap3A_70 = vector.load %arg4[%swap3A_68, %swap3A_69] : memref<224x128xf32, #tpu.memory_space<vmem>>, vector<224x128xf32>
      tpu.vector_store %arg4[%swap3A_68, %swap3A_69], %broadcast_in_dim3A_67 {strides = array<i32>} : memref<224x128xf32, #tpu.memory_space<vmem>>, vector<224x128xf32>,
      %broadcast_in_dim3A_71 = arith.constant 0.000000e+00 : f32
      %broadcast_in_dim3A_72 = vector.broadcast %broadcast_in_dim3A_71 : f32 to vector<16x1xf32>
      %swap3A_73 = arith.constant 0 : index
      %swap3A_74 = arith.constant 0 : index
      %swap3A_75 = vector.load %arg5[%swap3A_73, %swap3A_74] : memref<16x1xf32, #tpu.memory_space<vmem>>, vector<16x1xf32>
      tpu.vector_store %arg5[%swap3A_73, %swap3A_74], %broadcast_in_dim3A_72 {strides = array<i32>} : memref<16x1xf32, #tpu.memory_space<vmem>>, vector<16x1xf32>,
    } else {
    }
    %get3A = arith.constant 0 : index
    %get3A_2 = arith.constant 0 : index
    %get3A_3 = vector.load %arg1[%get3A, %get3A_2] : memref<1x8192xi32, #tpu.memory_space<vmem>>, vector<1x8192xi32>
    %get3A_4 = vector.shape_cast %get3A_3 : vector<1x8192xi32> to vector<8192xi32>
    %iota3A = tpu.iota {dimensions = array<i32: 1>} : vector<1x8192xi32>
    %iota3A_5 = vector.shape_cast %iota3A : vector<1x8192xi32> to vector<8192xi32>
    %jit3A = arith.constant 1024 : i32
    %div3A = vector.broadcast %jit3A : i32 to vector<8192xi32>
    %div3A_6 = arith.divsi %iota3A_5, %div3A : vector<8192xi32>
    %sign3A = arith.constant 0 : i32
    %sign3A_7 = vector.broadcast %sign3A : i32 to vector<8192xi32>
    %sign3A_8 = arith.cmpi sgt, %iota3A_5, %sign3A_7 : vector<8192xi32>
    %sign3A_9 = arith.extui %sign3A_8 : vector<8192xi1> to vector<8192xi32>
    %sign3A_10 = arith.constant 0 : i32
    %sign3A_11 = vector.broadcast %sign3A_10 : i32 to vector<8192xi32>
    %sign3A_12 = arith.cmpi slt, %iota3A_5, %sign3A_11 : vector<8192xi32>
    %sign3A_13 = arith.extui %sign3A_12 : vector<8192xi1> to vector<8192xi32>
    %sign3A_14 = arith.subi %sign3A_9, %sign3A_13 : vector<8192xi32>
    %sign3A_15 = arith.constant 0 : i32
    %sign3A_16 = arith.cmpi sgt, %jit3A, %sign3A_15 : i32
    %sign3A_17 = arith.extui %sign3A_16 : i1 to i32
    %sign3A_18 = arith.constant 0 : i32
    %sign3A_19 = arith.cmpi slt, %jit3A, %sign3A_18 : i32
    %sign3A_20 = arith.extui %sign3A_19 : i1 to i32
    %sign3A_21 = arith.subi %sign3A_17, %sign3A_20 : i32
    %ne3A = vector.broadcast %sign3A_21 : i32 to vector<8192xi32>
    %ne3A_22 = arith.cmpi ne, %sign3A_14, %ne3A : vector<8192xi32>
    %rem3A = vector.broadcast %jit3A : i32 to vector<8192xi32>
    %rem3A_23 = arith.remsi %iota3A_5, %rem3A : vector<8192xi32>
    %ne3A_24 = arith.constant 0 : i32
    %ne3A_25 = vector.broadcast %ne3A_24 : i32 to vector<8192xi32>
    %ne3A_26 = arith.cmpi ne, %rem3A_23, %ne3A_25 : vector<8192xi32>
    %and3A = arith.andi %ne3A_22, %ne3A_26 : vector<8192xi1>
    %sub3A = arith.constant 1 : i32
    %sub3A_27 = vector.broadcast %sub3A : i32 to vector<8192xi32>
    %sub3A_28 = arith.subi %div3A_6, %sub3A_27 : vector<8192xi32>
    %select_n3A = arith.select %and3A, %sub3A_28, %div3A_6 : vector<8192xi1>, vector<8192xi32>
    %mul3A = arith.constant 16 : i32
    %mul3A_29 = vector.broadcast %mul3A : i32 to vector<8192xi32>
    %mul3A_30 = arith.muli %select_n3A, %mul3A_29 : vector<8192xi32>
    %add3A = arith.addi %get3A_4, %mul3A_30 : vector<8192xi32>
    %broadcast_in_dim3A = vector.shape_cast %add3A : vector<8192xi32> to vector<8192x1xi32>
    %iota3A_31 = tpu.iota {dimensions = array<i32: 1>} : vector<8192x128xi32>
    %eq3A_32 = vector.broadcast %broadcast_in_dim3A : vector<8192x1xi32> to vector<8192x128xi32>
    %eq3A_33 = arith.cmpi eq, %eq3A_32, %iota3A_31 : vector<8192x128xi32>
    %convert_element_type3A_34 = arith.extui %eq3A_33 : vector<8192x128xi1> to vector<8192x128xi32>
    %convert_element_type3A_35 = arith.sitofp %convert_element_type3A_34 : vector<8192x128xi32> to vector<8192x128xf32>
    %get3A_36 = arith.constant 0 : index
    %get3A_37 = arith.constant 0 : index
    %get3A_38 = vector.load %arg4[%get3A_36, %get3A_37] : memref<224x128xf32, #tpu.memory_space<vmem>>, vector<224x128xf32>
    %get3A_39 = arith.constant 0 : index
    %get3A_40 = arith.constant 0 : index
    %get3A_41 = vector.load %arg2[%get3A_39, %get3A_40] : memref<224x8192xf32, #tpu.memory_space<vmem>>, vector<224x8192xf32>
    %dot_general3A = arith.constant dense<0.000000e+00> : vector<224x128xf32>
    %dot_general3A_42 = tpu.matmul %get3A_41, %convert_element_type3A_35, %dot_general3A {dimension_numbers = #tpu.dot_dimension_numbers<[1], [0], [0], [1], [0, 0, 1, 1], [], []>, transpose_lhs_hint = false} : vector<224x8192xf32>, vector<8192x128xf32>, vector<224x128xf32> -> vector<224x128xf32>
    %add3A_43 = arith.addf %get3A_38, %dot_general3A_42 : vector<224x128xf32>
    %swap3A = arith.constant 0 : index
    %swap3A_44 = arith.constant 0 : index
    %swap3A_45 = vector.load %arg4[%swap3A, %swap3A_44] : memref<224x128xf32, #tpu.memory_space<vmem>>, vector<224x128xf32>
    tpu.vector_store %arg4[%swap3A, %swap3A_44], %add3A_43 {strides = array<i32>} : memref<224x128xf32, #tpu.memory_space<vmem>>, vector<224x128xf32>,
    %broadcast_in_dim3A_46 = vector.shape_cast %get3A_4 : vector<8192xi32> to vector<1x8192xi32>
    %iota3A_47 = tpu.iota {dimensions = array<i32: 0>} : vector<16x8192xi32>
    %eq3A_48 = vector.broadcast %broadcast_in_dim3A_46 : vector<1x8192xi32> to vector<16x8192xi32>
    %eq3A_49 = arith.cmpi eq, %eq3A_48, %iota3A_47 : vector<16x8192xi32>
    %convert_element_type3A_50 = arith.extui %eq3A_49 : vector<16x8192xi1> to vector<16x8192xi32>
    %convert_element_type3A_51 = arith.sitofp %convert_element_type3A_50 : vector<16x8192xi32> to vector<16x8192xf32>
    %get3A_52 = arith.constant 0 : index
    %get3A_53 = arith.constant 0 : index
    %get3A_54 = vector.load %arg5[%get3A_52, %get3A_53] : memref<16x1xf32, #tpu.memory_space<vmem>>, vector<16x1xf32>
    %reduce_sum3A = arith.constant dense<0.000000e+00> : vector<16xf32>
    %reduce_sum3A_55 = vector.multi_reduction <add>, %convert_element_type3A_51, %reduce_sum3A [1] : vector<16x8192xf32> to vector<16xf32>
    %broadcast_in_dim3A_56 = vector.shape_cast %reduce_sum3A_55 : vector<16xf32> to vector<16x1xf32>
    %add3A_57 = arith.addf %get3A_54, %broadcast_in_dim3A_56 : vector<16x1xf32>
    %swap3A_58 = arith.constant 0 : index
    %swap3A_59 = arith.constant 0 : index
    %swap3A_60 = vector.load %arg5[%swap3A_58, %swap3A_59] : memref<16x1xf32, #tpu.memory_space<vmem>>, vector<16x1xf32>
    tpu.vector_store %arg5[%swap3A_58, %swap3A_59], %add3A_57 {strides = array<i32>} : memref<16x1xf32, #tpu.memory_space<vmem>>, vector<16x1xf32>,
    %eq3A_61 = arith.constant 3 : i32
    %eq3A_62 = arith.cmpi eq, %arg0, %eq3A_61 : i32
    %convert_element_type3A_63 = arith.extui %eq3A_62 : i1 to i32
    %cond3A_64 = arith.constant 0 : i32
    %cond3A_65 = arith.cmpi ne, %convert_element_type3A_63, %cond3A_64 : i32
    scf.if %cond3A_65 {
      %get3A_66 = arith.constant 0 : index
      %get3A_67 = arith.constant 0 : index
      %get3A_68 = vector.load %arg5[%get3A_66, %get3A_67] : memref<16x1xf32, #tpu.memory_space<vmem>>, vector<16x1xf32>
      %gt3A = arith.constant 5.000000e-01 : f32
      %gt3A_69 = vector.broadcast %gt3A : f32 to vector<16x1xf32>
      %gt3A_70 = arith.cmpf ogt, %get3A_68, %gt3A_69 : vector<16x1xf32>
      %iota3A_71 = tpu.iota {dimensions = array<i32: 0>} : vector<16x16xi32>
      %iota3A_72 = tpu.iota {dimensions = array<i32: 1>} : vector<16x16xi32>
      %le3A = arith.cmpi sle, %iota3A_72, %iota3A_71 : vector<16x16xi32>
      %convert_element_type3A_73 = arith.extui %le3A : vector<16x16xi1> to vector<16x16xi32>
      %convert_element_type3A_74 = arith.sitofp %convert_element_type3A_73 : vector<16x16xi32> to vector<16x16xf32>
      %convert_element_type3A_75 = arith.extui %gt3A_70 : vector<16x1xi1> to vector<16x1xi32>
      %convert_element_type3A_76 = arith.sitofp %convert_element_type3A_75 : vector<16x1xi32> to vector<16x1xf32>
      %dot_general3A_77 = arith.constant dense<0.000000e+00> : vector<16x1xf32>
      %dot_general3A_78 = tpu.matmul %convert_element_type3A_74, %convert_element_type3A_76, %dot_general3A_77 {dimension_numbers = #tpu.dot_dimension_numbers<[1], [0], [0], [1], [0, 0, 1, 1], [], []>, transpose_lhs_hint = false} : vector<16x16xf32>, vector<16x1xf32>, vector<16x1xf32> -> vector<16x1xf32>
      %sub3A_79 = arith.constant 1.000000e+00 : f32
      %sub3A_80 = vector.broadcast %sub3A_79 : f32 to vector<16x1xf32>
      %sub3A_81 = arith.subf %dot_general3A_78, %sub3A_80 : vector<16x1xf32>
      %convert_element_type3A_82 = arith.fptosi %sub3A_81 : vector<16x1xf32> to vector<16x1xi32>
      %eq3A_83 = vector.broadcast %convert_element_type3A_82 : vector<16x1xi32> to vector<16x16xi32>
      %eq3A_84 = arith.cmpi eq, %eq3A_83, %iota3A_72 : vector<16x16xi32>
      %and3A_85 = vector.broadcast %gt3A_70 : vector<16x1xi1> to vector<16x16xi1>
      %and3A_86 = arith.andi %and3A_85, %eq3A_84 : vector<16x16xi1>
      %convert_element_type3A_87 = arith.extui %and3A_86 : vector<16x16xi1> to vector<16x16xi32>
      %convert_element_type3A_88 = arith.sitofp %convert_element_type3A_87 : vector<16x16xi32> to vector<16x16xf32>
      %reduce_sum3A_89 = arith.constant dense<0.000000e+00> : vector<16xf32>
      %reduce_sum3A_90 = vector.multi_reduction <add>, %convert_element_type3A_88, %reduce_sum3A_89 [0] : vector<16x16xf32> to vector<16xf32>
      %broadcast_in_dim3A_91 = vector.shape_cast %reduce_sum3A_90 : vector<16xf32> to vector<1x16xf32>
      %eq3A_92 = arith.constant 0 : i32
      %eq3A_93 = vector.broadcast %eq3A_92 : i32 to vector<16x16xi32>
      %eq3A_94 = arith.cmpi eq, %iota3A_71, %eq3A_93 : vector<16x16xi32>
      %lt3A = arith.constant 5.000000e-01 : f32
      %lt3A_95 = vector.broadcast %lt3A : f32 to vector<1x16xf32>
      %lt3A_96 = arith.cmpf olt, %broadcast_in_dim3A_91, %lt3A_95 : vector<1x16xf32>
      %and3A_97 = vector.broadcast %lt3A_96 : vector<1x16xi1> to vector<16x16xi1>
      %and3A_98 = arith.andi %eq3A_94, %and3A_97 : vector<16x16xi1>
      %or3A = arith.ori %and3A_86, %and3A_98 : vector<16x16xi1>
      %convert_element_type3A_99 = arith.extui %or3A : vector<16x16xi1> to vector<16x16xi32>
      %convert_element_type3A_100 = arith.sitofp %convert_element_type3A_99 : vector<16x16xi32> to vector<16x16xf32>
      %iota3A_101 = tpu.iota {dimensions = array<i32: 0>} : vector<128x16xi32>
      %iota3A_102 = tpu.iota {dimensions = array<i32: 1>} : vector<128x16xi32>
      %jit3A_103 = arith.constant 16 : i32
      %eq3A_104 = arith.constant 0 : i32
      %eq3A_105 = arith.cmpi eq, %jit3A_103, %eq3A_104 : i32
      %jit3A_106 = arith.constant 1 : i32
      %select_n3A_107 = arith.select %eq3A_105, %jit3A_106, %jit3A_103 : i32
      %rem3A_108 = vector.broadcast %select_n3A_107 : i32 to vector<128x16xi32>
      %rem3A_109 = arith.remsi %iota3A_101, %rem3A_108 : vector<128x16xi32>
      %ne3A_110 = arith.constant 0 : i32
      %ne3A_111 = vector.broadcast %ne3A_110 : i32 to vector<128x16xi32>
      %ne3A_112 = arith.cmpi ne, %rem3A_109, %ne3A_111 : vector<128x16xi32>
      %lt3A_113 = arith.constant 0 : i32
      %lt3A_114 = vector.broadcast %lt3A_113 : i32 to vector<128x16xi32>
      %lt3A_115 = arith.cmpi slt, %rem3A_109, %lt3A_114 : vector<128x16xi32>
      %lt3A_116 = arith.constant 0 : i32
      %lt3A_117 = arith.cmpi slt, %select_n3A_107, %lt3A_116 : i32
      %ne3A_118 = vector.broadcast %lt3A_117 : i1 to vector<128x16xi1>
      %ne3A_119 = vector.broadcast %ne3A_118 : vector<128x16xi1> to vector<128x16xi1>
      %ne3A_120 = arith.xori %lt3A_115, %ne3A_119 : vector<128x16xi1>
      %and3A_121 = arith.andi %ne3A_120, %ne3A_112 : vector<128x16xi1>
      %add3A_122 = vector.broadcast %select_n3A_107 : i32 to vector<128x16xi32>
      %add3A_123 = arith.addi %rem3A_109, %add3A_122 : vector<128x16xi32>
      %select_n3A_124 = arith.select %and3A_121, %add3A_123, %rem3A_109 : vector<128x16xi1>, vector<128x16xi32>
      %eq3A_125 = arith.cmpi eq, %select_n3A_124, %iota3A_102 : vector<128x16xi32>
      %convert_element_type3A_126 = arith.extui %eq3A_125 : vector<128x16xi1> to vector<128x16xi32>
      %convert_element_type3A_127 = arith.sitofp %convert_element_type3A_126 : vector<128x16xi32> to vector<128x16xf32>
      %dot_general3A_128 = arith.constant dense<0.000000e+00> : vector<128x16xf32>
      %dot_general3A_129 = tpu.matmul %convert_element_type3A_127, %convert_element_type3A_100, %dot_general3A_128 {dimension_numbers = #tpu.dot_dimension_numbers<[1], [0], [0], [1], [0, 0, 1, 1], [], []>, precision = #tpu.contract_precision<fp32>, transpose_lhs_hint = false} : vector<128x16xf32>, vector<16x16xf32>, vector<128x16xf32> -> vector<128x16xf32>
      %get3A_130 = arith.constant 0 : index
      %get3A_131 = arith.constant 0 : index
      %get3A_132 = vector.load %arg4[%get3A_130, %get3A_131] : memref<224x128xf32, #tpu.memory_space<vmem>>, vector<224x128xf32>
      %dot_general3A_133 = arith.constant dense<0.000000e+00> : vector<224x16xf32>
      %dot_general3A_134 = tpu.matmul %get3A_132, %dot_general3A_129, %dot_general3A_133 {dimension_numbers = #tpu.dot_dimension_numbers<[1], [0], [0], [1], [0, 0, 1, 1], [], []>, precision = #tpu.contract_precision<fp32>, transpose_lhs_hint = false} : vector<224x128xf32>, vector<128x16xf32>, vector<224x16xf32> -> vector<224x16xf32>
      %swap3A_135 = arith.constant 0 : index
      %swap3A_136 = arith.constant 0 : index
      %swap3A_137 = vector.load %arg3[%swap3A_135, %swap3A_136] : memref<224x16xf32, #tpu.memory_space<vmem>>, vector<224x16xf32>
      tpu.vector_store %arg3[%swap3A_135, %swap3A_136], %dot_general3A_134 {strides = array<i32>} : memref<224x16xf32, #tpu.memory_space<vmem>>, vector<224x16xf32>,
    } else {
    }
    return
  }
  func.func @transform_0(%arg0: i32) -> (i32, i32) {
    %c0_i32 = arith.constant 0 : i32
    %c0_i32_0 = arith.constant 0 : i32
    return %c0_i32, %arg0 : i32, i32
  }
  func.func @transform_1(%arg0: i32) -> (i32, i32) {
    %c0_i32 = arith.constant 0 : i32
    %c0_i32_0 = arith.constant 0 : i32
    return %c0_i32, %arg0 : i32, i32
  }
  func.func @transform_2(%arg0: i32) -> (i32, i32) {
    %c0_i32 = arith.constant 0 : i32
    %c0_i32_0 = arith.constant 0 : i32
    %c0_i32_1 = arith.constant 0 : i32
    return %c0_i32, %c0_i32_0 : i32, i32
  }
}

</mosaic_0001>

<sc_bundles>
// kernel: _pooled_sums.4.cloned.1.call-start
scs
__scs_entry_jumppad:
0x0: {  	(pc) =	sbr.rel $0x88, $3  }
0x1: {  	(tag) =	ssettag $0x0;
	lr =	simm.s32 $0x1  }
0x2: {  	[smem:$0x3F9F] =	sst lr;
	_ =	strace $0xD0000000  }
0x3: {  	_ = 	snop  }
0x4: {  	_ = 	snop  }
0x5: {  	_ = 	snop  }
0x6: {  	_ = 	snop  }
0x7: {  	_ = 	snop  }
__scs_overlays_trampoline_lowered:
0x8: {  	[smem:$0x3FAE] =	sst s0  }
0x9: {  	[smem:$0x3FAF] =	sst s1  }
0xa: {  	[smem:$0x3FB0] =	sst s2  }
0xb: {  	[smem:$0x3FB1] =	sst s3  }
0xc: {  	[smem:$0x3FB2] =	sst s4  }
0xd: {  	[smem:$0x3FB3] =	sst s5  }
0xe: {  	[smem:$0x3FB4] =	sst s6  }
0xf: {  	[smem:$0x3FB5] =	sst s7  }
0x10: {  	[smem:$0x3FB6] =	sst s8  }
0x11: {  	[smem:$0x3FB7] =	sst s9;
	s0 =	simm.s32 @!p0 $0x0  }
0x12: {  	s1 =	sld [smem:$0x3F9D];
	s0 =	simm.s32 @p0 $0x1  }
0x13: {  	[smem:$0x3FB8] =	sst s0;
	s0 =	simm.s32 @!p1 $0x0  }
0x14: {  	s2 =	sld [smem:$0x3F9C];
	s0 =	simm.s32 @p1 $0x1  }
0x15: {  	[smem:$0x3FB9] =	sst s0;
	s0 =	simm.s32 @!p2 $0x0  }
0x16: {  	s3 =	sld [smem:$0x3FDB];
	s0 =	simm.s32 @p2 $0x1  }
0x17: {  	s4 =	simm.s32 $0x1BF5;
	[smem:$0x3FBB] =	sst s0  }
0x18: {  	s0 =	sld [smem:$0x3F9E];
	_ =	swait.ge [sflag:s4], $0x0  }
0x19: {  	s7 =	sld [smem:$0x3F9F]  }
0x1a: {  	s8 =	sadd.s32 $0xFFFFE003, lr  }
0x1b: {  	s9 =	sadd.s32 $0xFFFFFEF7, lr;
	s5 =	simm.s32 $0xFFFFFFFF;
	p2 =	slt.u32 s8, $0xFFFFF086  }
0x1c: {  	p1 =	slt.u32 s9, $0xF7A;
	s5 =	simm.s32 @!p2 $0x0  }
0x1d: {  	s5 =	simm.s32 @p1 $0x1;
	p0 =	seq.s32 s7, s2  }
0x1e: {  	s7 =	smul.u32 @!p0 $0xF7A, s2;
	p2 =	seq.s32 @!p0 s5, $0x0  }
0x1f: {  	s9 =	smul.u32 $0xF7A, s1;
	s8 =	simm.s32 @!p0 $0x1BF5;
	p2 =	por !p2, p0  }
0x20: {  	[sflag:s8] =	ssyncset.s32 @!p0 $0xFFFFF086;
	s6 =	sadd.s32 @!p0 s3, s7;
	s7 =	simm.s32 @!p0 $0x108  }
0x21: {  	s3 =	sadd.s32 s3, s9;
	s6 =	sadd.s32 @!p0 $0x88, s6;
	s7 =	simm.s32 @p2 $0x1082  }
0x22: {  	[simem:s7], [sflag:s8] =	dma.local @!p0 [hbm:s6], $0xF7A  }
0x23: {  	s9 =	sor.u32 $0xD0000000, s2;
	s6 =	simm.s32 $0x108;
	_ =	swait.ge @!p0 [sflag:s8], $0x0  }
0x24: {  	s3 =	sadd.s32 $0x88, s3;
	s6 =	simm.s32 @!p1 $0x1082;
	[sflag:s4] =	ssyncset.s32 $0xFFFFF086  }
0x25: {  	[simem:s6], [sflag:s4] =	dma.local [hbm:s3], $0xF7A  }
0x26: {  	[smem:$0x3F9F] =	sst s1;
	(tag) =	ssettag s2;
	_ =	strace s9  }
0x27: {  	s1 =	sld [smem:$0x3FAF]  }
0x28: {  	s2 =	sld [smem:$0x3FB0]  }
0x29: {  	s4 =	sld [smem:$0x3FB2]  }
0x2a: {  	p0 =	seq.s32 s5, $0x0;
	s5 =	sld [smem:$0x3FB3]  }
0x2b: {  	s6 =	sld [smem:$0x3FB4]  }
0x2c: {  	s7 =	sld [smem:$0x3FB5]  }
0x2d: {  	s3 =	simm.s32 $0x108;
	s8 =	sld [smem:$0x3FB6]  }
0x2e: {  	s3 =	simm.s32 @!p0 $0x1082;
	s9 =	sld [smem:$0x3FB7]  }
0x2f: {  	lr =	sadd.s32 s0, s3;
	s0 =	sld [smem:$0x3FAE]  }
0x30: {  	s3 =	sld [smem:$0x3FB1]  }
0x31: {  	[smem:$0x3FBA] =	sst s10  }
0x32: {  	s10 =	sld [smem:$0x3FB8];
	_ =	sdelay $0x3  }
0x33: {  	p0 =	seq.s32 s10, $0x1;
	s10 =	sld [smem:$0x3FBA];
	_ =	sdelay $0x3  }
0x34: {  	[smem:$0x3FBA] =	sst s10  }
0x35: {  	s10 =	sld [smem:$0x3FB9];
	_ =	sdelay $0x3  }
0x36: {  	p1 =	seq.s32 s10, $0x1;
	s10 =	sld [smem:$0x3FBA];
	_ =	sdelay $0x3  }
0x37: {  	[smem:$0x3FBA] =	sst s10  }
0x38: {  	s10 =	sld [smem:$0x3FBB]  }
0x39: {  	_ = 	snop;
	(pc) =	sbr.ind lr, $3  }
0x3a: {  	_ = 	snop  }
0x3b: {  	_ = 	snop  }
0x3c: {  	p2 =	seq.s32 s10, $0x1;
	s10 =	sld [smem:$0x3FBA]  }
0x3d: {  	_ =	shalt  }
0x3e: {  	_ =	shalt  }
0x3f: {  	_ =	shalt  }
0x40: {  	_ =	shalt  }
0x41: {  	_ =	shalt  }
0x42: {  	_ =	shalt  }
0x43: {  	_ =	shalt  }
0x44: {  	_ =	shalt  }
0x45: {  	_ =	shalt  }
0x46: {  	_ =	shalt  }
0x47: {  	_ =	shalt  }
0x48: {  	_ =	shalt  }
0x49: {  	_ =	shalt  }
0x4a: {  	_ =	shalt  }
0x4b: {  	_ =	shalt  }
0x4c: {  	_ =	shalt  }
0x4d: {  	_ =	shalt  }
0x4e: {  	_ =	shalt  }
0x4f: {  	_ =	shalt  }
0x50: {  	_ =	shalt  }
0x51: {  	_ =	shalt  }
0x52: {  	_ =	shalt  }
0x53: {  	_ =	shalt  }
0x54: {  	_ =	shalt  }
0x55: {  	_ =	shalt  }
0x56: {  	_ =	shalt  }
0x57: {  	_ =	shalt  }
0x58: {  	_ =	shalt  }
0x59: {  	_ =	shalt  }
0x5a: {  	_ =	shalt  }
0x5b: {  	_ =	shalt  }
0x5c: {  	_ =	shalt  }
0x5d: {  	_ =	shalt  }
0x5e: {  	_ =	shalt  }
0x5f: {  	_ =	shalt  }
0x60: {  	_ =	shalt  }
0x61: {  	_ =	shalt  }
0x62: {  	_ =	shalt  }
0x63: {  	_ =	shalt  }
0x64: {  	_ =	shalt  }
0x65: {  	_ =	shalt  }
0x66: {  	_ =	shalt  }
0x67: {  	_ =	shalt  }
0x68: {  	_ =	shalt  }
0x69: {  	_ =	shalt  }
0x6a: {  	_ =	shalt  }
0x6b: {  	_ =	shalt  }
0x6c: {  	_ =	shalt  }
0x6d: {  	_ =	shalt  }
0x6e: {  	_ =	shalt  }
0x6f: {  	_ =	shalt  }
0x70: {  	_ =	shalt  }
0x71: {  	_ =	shalt  }
0x72: {  	_ =	shalt  }
0x73: {  	_ =	shalt  }
0x74: {  	_ =	shalt  }
0x75: {  	_ =	shalt  }
0x76: {  	_ =	shalt  }
0x77: {  	_ =	shalt  }
0x78: {  	_ =	shalt  }
0x79: {  	_ =	shalt  }
0x7a: {  	_ =	shalt  }
0x7b: {  	_ =	shalt  }
0x7c: {  	_ =	shalt  }
0x7d: {  	_ =	shalt  }
0x7e: {  	_ =	shalt  }
0x7f: {  	_ =	shalt  }
0x80: {  	_ =	shalt  }
0x81: {  	_ =	shalt  }
0x82: {  	_ =	shalt  }
0x83: {  	_ =	shalt  }
0x84: {  	_ =	shalt  }
0x85: {  	_ =	shalt  }
0x86: {  	_ =	shalt  }
0x87: {  	_ =	shalt  }
.Lfunc_end0:
.L_simem_size_0:
called_computation_lowered:
.L_overlay_start_0:
0x88: {  	s2 =	sld [smem:$0x3FD9]  }
0x89: {  	s3 =	sld [smem:$0x3FFE];
	_ =	sdelay $0x1  }
0x8a: {  	s1 =	srdreg.scid  }
0x8b: {  	s0 =	sand.u32 $0x1, s1  }
0x8c: {  	s18 =	sshll.u32 s0, $0xA;
	s2 =	sadd.s32 s3, s2  }
0x8d: {  	s2 =	sadd.s32 s2, s18  }
0x8e: {  	[smem:$0x3FC6] =	sst s2  }
0x8f: {  	_ = 	snop  }
0x90: {  	s2 =	sld [smem:$0x3FC9]  }
0x91: {  	s19 =	sld [smem:$0x3FC8]  }
0x92: {  	s4 =	sld [smem:$0x3FD0];
	(tm) =	ssettm $0x1  }
0x93: {  	s5 =	sld [smem:$0x3FFB];
	_ =	sdelay $0x3  }
0x94: {  	_ =	strace s5  }
0x95: {  	s5 =	sld [smem:$0x3FFC];
	_ =	sdelay $0x3  }
0x96: {  	_ =	strace s5  }
0x97: {  	s5 =	sld [smem:$0x3FFD];
	_ =	sdelay $0x3  }
0x98: {  	_ =	strace s5  }
0x99: {  	_ =	strace $0x8FFFFFFF  }
0x9a: {  	s20 =	sld [smem:$0x3FDB];
	_ =	sdelay $0x1  }
0x9b: {  	s6 =	simm.s32 $_scs_section_size  }
0x9c: {  	s7 =	simm.s32 $_size__tile_overlayer_lowered;
	s8 =	simm.s32 $_tile_overlayer_lowered  }
0x9d: {  	s23 =	simm.s32 $0x1BFF;
	s22 =	sshll.u32 s8, $0x1;
	s5 =	sadd.s32 s6, s20  }
0x9e: {  	s9 =	simm.s32 $0x0;
	s21 =	sshll.u32 s7, $0x1;
	s7 =	sadd.s32 s22, s5  }
0x9f: {  	[timem:s9], [sflag:s23] =	dma.local [hbm:s7], s21  }
0xa0: {  	_ =	swait.ge [sflag:s23], s21  }
0xa1: {  	s6 =	ssub.s32 $0x0, s21;
	[sflag:s23] =	ssyncset.done $0x0  }
0xa2: {  	[sflag:s23] =	ssyncadd.s32 s6;
	_ =	sdelay $0x1  }
0xa3: {  	s24 =	simm.s32 $0x1B8B  }
0xa4: {  	_ =	swait.ge [sflag:s24], $0x1  }
0xa5: {  	[sflag:s24] =	ssyncset.done $0x0  }
0xa6: {  	s25 =	simm.s32 $0x1B8E;
	[sflag:s24] =	ssyncadd.s32 $0xFFFFFFFF  }
0xa7: {  	s26 =	simm.s32 $execute0_lowered;
	[smem:$0x3FD2] =	sst s25  }
0xa8: {  	s6 =	sshll.u32 s26, $0x1;
	_ =	strace $0x80000046;
	[dreg:$0x1] =	wrdreg $0xFFFFFFFF  }
0xa9: {  	s28 =	simm.s32 $_size_execute0_lowered;
	s5 =	sadd.s32 s5, s6;
	[dreg:$0x0] =	wrdreg $0x0  }
0xaa: {  	s6 =	sshll.u32 s28, $0x1;
	[dreg:$0x2] =	wrdreg s5  }
0xab: {  	[dreg:$0x3] =	wrdreg s6  }
0xac: {  	[dreg:$0x4] =	wrdreg $0xC0  }
0xad: {  	_ =	task [dreg:s9], $0x5FFFF  }
0xae: {  	[dreg:$0x1] =	wrdreg $0xFFFFFFFF  }
0xaf: {  	[dreg:$0x0] =	wrdreg $0x60  }
0xb0: {  	[dreg:$0x2] =	wrdreg s2  }
0xb1: {  	[dreg:$0x3] =	wrdreg s19  }
0xb2: {  	[dreg:$0x4] =	wrdreg s4  }
0xb3: {  	[dreg:$0x5] =	wrdreg $0x8C000  }
0xb4: {  	[dreg:$0x6] =	wrdreg $0x9  }
0xb5: {  	_ =	task.clear_ibuf [dreg:s9], $0x7FFFF;
	_ =	strace $0x90000046  }
0xb6: {  	s29 =	simm.s32 $0x9;
	_ =	strace $0x80000048  }
0xb7: {  	_ =	swait.ge [sflag:s29], $0x1  }
0xb8: {  	[sflag:s29] =	ssyncadd.s32 $0xFFFFFFFF  }
0xb9: {  	_ =	strace $0x90000048  }
0xba: {  	_ =	sfence  }
0xbb: {  	s30 =	sld [smem:$0x0];
	_ =	sdelay $0x2  }
0xbc: {  	s31 =	sshll.u32 s1, $0xD;
	s1 =	sshrl.u32 s1, $0x2  }
0xbd: {  	s3 =	sand.u32 $0x4000, s31;
	s1 =	sadd.s32 s1, s30  }
0xbe: {  	s0 =	sor.u32 s3, s0;
	s1 =	sshll.u32 s1, $0x11  }
0xbf: {  	s0 =	sor.u32 s1, s0  }
0xc0: {  	s0 =	sadd.s32 $0x8F2B, s0  }
0xc1: {  	[sflag:s0] =	ssyncadd.remote.s32 $0x1  }
0xc2: {  	_ =	sfence.sel $0xFFFF  }
0xc3: {  	[dreg:$0x0] =	wrdreg $0xFFFFFFFF;
	(pc) =	sbr.abs _section_cstart, $3  }
0xc4: {  	[dreg:$0x1] =	wrdreg $0xFFFFFFFF  }
0xc5: {  	_ =	task.clear_ibuf [dreg:s9], $0x2FFFF;
	_ =	strace $0x9FFFFFFF  }
0xc6: {  	(tm) =	ssettm $0x7FFFFFFF  }
0xc7: {  	_ =	shalt  }
tec
execute0_lowered:
.L_overlay_start_1:
0x0: {  	(tag) =	ssettag $0x1  }
0x1: {  	s0 =	rddreg [dreg:$0x0]  }
0x2: {  	s1 =	rddreg [dreg:$0x1];
	s2 =	srdreg.scid  }
0x3: {  	s15 =	stileid.u32;
	s3 =	rddreg [dreg:$0x2]  }
0x4: {  	s16 =	rddreg [dreg:$0x3];
	s17 =	simm.s32 $0x400;
	s18 =	simm.s32 $0x1  }
0x5: {  	s19 =	simm.s32 $0x3;
	s21 =	simm.s32 $0x8000;
	s22 =	simm.s32 $0x8100  }
0x6: {  	s23 =	simm.s32 $0x2;
	s24 =	simm.s32 $0x4;
	s2 =	sand.u32 $0x1, s2  }
0x7: {  	s11 =	sshll.u32 s15, $0x8;
	s8 =	sshll.u32 s15, $0x10;
	s7 =	sadd.s32 $0x400, s1  }
0x8: {  	s10 =	sshll.u32 s15, $0xA;
	s30 =	sshll.u32 s15, $0x7;
	s4 =	sshll.u32 s2, $0x7  }
0x9: {  	s5 =	sand.u32 $0x300, s11;
	s6 =	sand.u32 $0xC0000, s8;
	s2 =	ssub.s32 $0x2, s2  }
0xa: {  	s14 =	sand.u32 $0xC00, s11;
	s11 =	simm.s32 $0x2000;
	s12 =	sor.u32 s4, s5  }
0xb: {  	s4 =	simm.s32 $0x0;
	s26 =	sshrl.u32 s2, $0x1;
	s5 =	sor.u32 s6, s12  }
0xc: {  	[smem:$0x7FF] =	sst s4;
	s2 =	ssub.s32 s2, s26;
	s13 =	sor.u32 s8, s12  }
0xd: {  	s8 =	sor.u32 $0x4000, s10;
	s10 =	sadd.s32 $0x800, s1;
	s14 =	sor.u32 s14, s12  }
0xe: {  	s12 =	sadd.s32 $0xC00, s1;
	s26 =	simm.s32 $0x5;
	s5 =	sshrl.u32 s5, $0x3  }
0xf: {  	_ =	strace $0x80000047;
	s13 =	sshrl.u32 s13, $0x3;
	s9 =	sadd.s32 s5, s0  }
0x10: {  	s31 =	sshrl.u32 s14, $0x3;
	s15 =	smax.u32 s2, $0x1;
	s5 =	sadd.s32 $0xE0000, s9  }
0x11: {  	s2 =	simm.s32 $0x0;
	s28 =	sadd.s32 $0xE2000, s9;
	[dreg:$0x5] =	wrdreg s5  }
0x12: {  	v1 =	vlaneseq.u32;
	s13 =	sor.u32 $0xE6000, s13;
	s29 =	sadd.s32 $0xE4000, s9;
	[dreg:$0x6] =	wrdreg s28  }
0x13: {  	v2 =	vmul.u32 $0x10, v1;
	s14 =	sadd.s32 s3, s31;
	s0 =	sadd.s32 s0, s13;
	[dreg:$0x7] =	wrdreg s29  }
0x14: {  	v0 =	vimm.f32 $0.0e+00;
	v3 =	vimm.f32 $1.000000000e+00;
	v4 =	vimm.s32 $0x0;
	s13 =	sadd.s32 s30, s16;
	s16 =	simm.s32 $0x80;
	[dreg:$0x8] =	wrdreg s0  }
.LBB2_1:
0x15: {  	[tilespmem:$0x8000] =	vst v0  }
0x16: {  	[tilespmem:$0x8010] =	vst v0  }
0x17: {  	[tilespmem:$0x8020] =	vst v0  }
0x18: {  	[tilespmem:$0x8030] =	vst v0  }
0x19: {  	[tilespmem:$0x8040] =	vst v0  }
0x1a: {  	[tilespmem:$0x8050] =	vst v0  }
0x1b: {  	[tilespmem:$0x8060] =	vst v0  }
0x1c: {  	[tilespmem:$0x8070] =	vst v0  }
0x1d: {  	[tilespmem:$0x8080] =	vst v0  }
0x1e: {  	[tilespmem:$0x8090] =	vst v0  }
0x1f: {  	[tilespmem:$0x80A0] =	vst v0  }
0x20: {  	[tilespmem:$0x80B0] =	vst v0  }
0x21: {  	[tilespmem:$0x80C0] =	vst v0  }
0x22: {  	[tilespmem:$0x80D0] =	vst v0  }
0x23: {  	[tilespmem:$0x80E0] =	vst v0  }
0x24: {  	[tilespmem:$0x80F0] =	vst v0  }
0x25: {  	[tilespmem:$0x8100] =	vst v0  }
0x26: {  	[tilespmem:$0x8110] =	vst v0  }
0x27: {  	[tilespmem:$0x8120] =	vst v0  }
0x28: {  	[tilespmem:$0x8130] =	vst v0  }
0x29: {  	[tilespmem:$0x8140] =	vst v0  }
0x2a: {  	[tilespmem:$0x8150] =	vst v0  }
0x2b: {  	[tilespmem:$0x8160] =	vst v0  }
0x2c: {  	[tilespmem:$0x8170] =	vst v0  }
0x2d: {  	[tilespmem:$0x8180] =	vst v0  }
0x2e: {  	[tilespmem:$0x8190] =	vst v0  }
0x2f: {  	[tilespmem:$0x81A0] =	vst v0  }
0x30: {  	[tilespmem:$0x81B0] =	vst v0  }
0x31: {  	[tilespmem:$0x81C0] =	vst v0  }
0x32: {  	[tilespmem:$0x81D0] =	vst v0  }
0x33: {  	[tilespmem:$0x81E0] =	vst v0  }
0x34: {  	[tilespmem:$0x81F0] =	vst v0;
	s0 =	rddreg [dreg:$0x5];
	s3 =	simm.s32 $0x10  }
0x35: {  	[tilespmem:s4], [sflag:$0x1] =	stream.strided.gather [hbm4b:s0+s16], $0x2000, s17, s16, $0x38;
	[tilespmem:$0x8C10] =	vst v63  }
0x36: {  	s28 =	sadd.s32 $0x0, s1;
	s25 =	simm.s32 $0x4100;
	s0 =	simm.s32 $0x4000  }
.LBB2_2:
0x37: {  	[tilespmem:s0], [sflag:$0x3] =	stream.linear.gather [hbm4b:s28+s4], $0x80, $0x38;
	[tilespmem:$0x8C10] =	vst v63  }
0x38: {  	s28 =	smov.u32 s3;
	s0 =	smov.u32 s25;
	p0 =	sne.s32 s3, $0x3F0  }
.Ltmp0:
0x39: {  	s3 =	sadd.s32 $0x10, s3;
	(pc) =	sbr.rel @p0 .LBB2_2-.Ltmp0, $2  }
0x3a: {  	_ =	sdelay $0x2  }
0x3b: {  	s25 =	sadd.s32 $0x100, s25;
	s28 =	sadd.s32 s28, s1  }
0x3c: {  	[tilespmem:s0], [sflag:$0x3] =	stream.linear.gather [hbm4b:s28+s4], $0x80, $0x38;
	[tilespmem:$0x8C10] =	vst v63  }
0x3d: {  	_ =	swait.ge [sflag:s18], $0x2000  }
0x3e: {  	[sflag:s18] =	ssyncset.done $0x0  }
0x3f: {  	[sflag:s18] =	ssyncadd.s32 $0xFFFFE000  }
0x40: {  	_ =	swait.ge [sflag:s19], $0x2000  }
0x41: {  	s0 =	simm.s32 $0x0;
	s3 =	simm.s32 $0x4080;
	[sflag:s19] =	ssyncset.done $0x0  }
0x42: {  	s25 =	simm.s32 $0x0;
	s31 =	rddreg [dreg:$0x6];
	[sflag:s19] =	ssyncadd.s32 $0xFFFFE000  }
0x43: {  	[tilespmem:s11], [sflag:$0x2] =	stream.strided.gather [hbm4b:s31+s16], $0x2000, s17, s16, $0x38;
	[tilespmem:$0x8C10] =	vst v63  }
.LBB2_4:
0x44: {  	p0 =	sne.s32 s25, $0x3F0  }
.Ltmp1:
0x45: {  	_ = 	snop;
	(pc) =	sbr.rel @p0 .LBB2_4-.Ltmp1, $4  }
0x46: {  	_ = 	snop  }
0x47: {  	s28 =	sadd.s32 s25, s7  }
0x48: {  	[tilespmem:s3], [sflag:$0x4] =	stream.linear.gather [hbm4b:s28+s0], $0x80, $0x38;
	[tilespmem:$0x8C10] =	vst v63  }
0x49: {  	s25 =	sadd.s32 $0x10, s25;
	s3 =	sadd.s32 $0x100, s3  }
0x4a: {  	s3 =	sand.u32 $0xFC00, s0  }
0x4b: {  	s25 =	sand.u32 $0x40, s0;
	s3 =	sshrl.u32 s3, $0x2  }
0x4c: {  	s28 =	sor.u32 $0x30, s25;
	s3 =	sor.u32 $0x4000, s3  }
0x4d: {  	s29 =	sor.u32 s28, s3  }
0x4e: {  	s30 =	sor.u32 s25, s3;
	v5 =	vld [tilespmem:s29+$0x0]  }
0x4f: {  	s20 =	sor.u32 $0x10, s25;
	v6 =	vld [tilespmem:s30+$0x0]  }
0x50: {  	v7 =	vld [tilespmem:s0+$0x0];
	s5 =	sand.u32 $0x1F80, s0;
	s31 =	sor.u32 s20, s3  }
0x51: {  	s25 =	sor.u32 $0x20, s25;
	s28 =	sor.u32 s28, s5;
	v8 =	vld [tilespmem:s31+$0x0]  }
0x52: {  	s3 =	sor.u32 s25, s3;
	v10 =	vld [tilespmem:s28+$0x0]  }
0x53: {  	s9 =	simm.s32 $0x200;
	s0 =	sor.u32 s25, s5;
	v13 =	vld [tilespmem:s3+$0x0]  }
0x54: {  	s3 =	sand.u32 $0xFC00, s9;
	v9 =	vadd.s32 v2, v5;
	v11 =	vadd.s32 v2, v6;
	v6 =	vld [tilespmem:s0+$0x0];
	s0 =	simm.s32 $0x40  }
0x55: {  	s6 =	sor.u32 s20, s5;
	s3 =	sshrl.u32 s3, $0x2;
	s20 =	sand.u32 $0x40, s0  }
0x56: {  	v12 =	vld [tilespmem:s6+$0x0];
	s3 =	sor.u32 $0x4000, s3;
	s6 =	sor.u32 $0x10, s20  }
0x57: {  	v5 =	vld [tilespmem:s0+$0x0];
	s9 =	sor.u32 s6, s3  }
0x58: {  	s28 =	sor.u32 $0x30, s20;
	v15 =	vld [tilespmem:s9+$0x0]  }
0x59: {  	v8 =	vadd.s32 v2, v8;
	s5 =	sor.u32 s28, s3;
	[tilespmem:v9+s21+$0x0] =	vst.idx.add.f32.msk $0xffff, v10  }
0x5a: {  	s31 =	sor.u32 s20, s3;
	v9 =	vld [tilespmem:s5+$0x0]  }
0x5b: {  	s25 =	sor.u32 $0x20, s20;
	v10 =	vld [tilespmem:s31+$0x0]  }
0x5c: {  	s3 =	sor.u32 s25, s3;
	[tilespmem:v11+s21+$0x0] =	vst.idx.add.f32.msk $0xffff, v7  }
0x5d: {  	s20 =	sand.u32 $0x1F80, s0;
	v11 =	vld [tilespmem:s3+$0x0];
	v7 =	vadd.s32 v2, v13  }
0x5e: {  	s31 =	sor.u32 s28, s20;
	[tilespmem:v8+s21+$0x0] =	vst.idx.add.f32.msk $0xffff, v12  }
0x5f: {  	s28 =	sor.u32 s6, s20;
	v12 =	vld [tilespmem:s31+$0x0];
	v14 =	vadd.s32 v2, v9  }
0x60: {  	s25 =	sor.u32 s25, s20;
	v8 =	vld [tilespmem:s28+$0x0];
	v13 =	vadd.s32 v2, v10  }
0x61: {  	s3 =	simm.s32 $0x4;
	s28 =	simm.s32 $0x80;
	v9 =	vadd.s32 v2, v15;
	v10 =	vld [tilespmem:s25+$0x0];
	s25 =	simm.s32 $0x400  }
.LBB2_6:
0x62: {  	s29 =	sand.u32 $0xFC00, s25;
	s3 =	sadd.s32 $0x4, s3;
	s0 =	sadd.s32 $0x40, s0;
	[tilespmem:v7+s21+$0x0] =	vst.idx.add.f32.msk $0xffff, v6;
	v7 =	vadd.s32 v2, v11  }
0x63: {  	s30 =	sand.u32 $0x40, s0;
	s29 =	sshrl.u32 s29, $0x2;
	v11 =	vld [tilespmem:s28+$0x0];
	p0 =	slt.u32 s3, $0x1FC  }
0x64: {  	s29 =	sor.u32 $0x4000, s29;
	s31 =	sor.u32 $0x10, s30;
	s5 =	sor.u32 $0x30, s30;
	[tilespmem:v14+s21+$0x0] =	vst.idx.add.f32.msk $0xffff, v12  }
0x65: {  	s6 =	sor.u32 s30, s29;
	s30 =	sor.u32 $0x20, s30;
	s9 =	sor.u32 s5, s29;
	[tilespmem:v13+s21+$0x0] =	vst.idx.add.f32.msk $0xffff, v5  }
0x66: {  	s20 =	sor.u32 s31, s29;
	s29 =	sor.u32 s30, s29;
	v12 =	vld [tilespmem:s9+$0x0];
	v6 =	vmov v10  }
0x67: {  	v10 =	vld [tilespmem:s6+$0x0]  }
0x68: {  	v15 =	vld [tilespmem:s20+$0x0];
	v5 =	vmov v11  }
.Ltmp2:
0x69: {  	s6 =	sand.u32 $0x1F80, s0;
	v11 =	vld [tilespmem:s29+$0x0];
	(pc) =	sbr.rel @p0 .LBB2_6-.Ltmp2, $4  }
0x6a: {  	s9 =	sor.u32 s31, s6;
	s20 =	sor.u32 s30, s6;
	s5 =	sor.u32 s5, s6;
	[tilespmem:v9+s21+$0x0] =	vst.idx.add.f32.msk $0xffff, v8  }
0x6b: {  	v14 =	vadd.s32 v2, v12;
	v12 =	vld [tilespmem:s5+$0x0]  }
0x6c: {  	v13 =	vadd.s32 v2, v10;
	v8 =	vld [tilespmem:s9+$0x0]  }
0x6d: {  	s25 =	sadd.s32 $0x200, s25;
	s28 =	sadd.s32 $0x40, s28;
	s29 =	simm.s32 $0x0;
	v9 =	vadd.s32 v2, v15;
	v10 =	vld [tilespmem:s20+$0x0]  }
0x6e: {  	_ =	sdelay $0x2  }
0x6f: {  	v11 =	vadd.s32 v2, v11  }
0x70: {  	[tilespmem:v7+s21+$0x0] =	vst.idx.add.f32.msk $0xffff, v6  }
0x71: {  	[tilespmem:v13+s21+$0x0] =	vst.idx.add.f32.msk $0xffff, v5  }
0x72: {  	s0 =	sand.u32 $0x300, s29;
	[tilespmem:v14+s21+$0x0] =	vst.idx.add.f32.msk $0xffff, v12  }
0x73: {  	s3 =	sand.u32 $0x70, s29;
	s0 =	sadd.s32 s0, s8;
	[tilespmem:v9+s21+$0x0] =	vst.idx.add.f32.msk $0xffff, v8  }
0x74: {  	s0 =	sadd.s32 s3, s0;
	[tilespmem:v11+s21+$0x0] =	vst.idx.add.f32.msk $0xffff, v10  }
0x75: {  	v5 =	vld [tilespmem:s0+$0x0];
	_ =	sdelay $0x4  }
0x76: {  	v5 =	vadd.s32 v2, v5;
	_ =	sdelay $0x1  }
0x77: {  	s0 =	simm.s32 $0x20  }
0x78: {  	s25 =	simm.s32 $0x10;
	s3 =	simm.s32 $0x20;
	s28 =	sand.u32 $0x300, s0  }
.LBB2_8:
0x79: {  	p0 =	sne.s32 s3, $0x1F0;
	s5 =	sand.u32 $0x70, s25;
	s6 =	sadd.s32 s28, s8  }
0x7a: {  	s25 =	smov.u32 s3;
	s5 =	sadd.s32 s5, s6;
	[tilespmem:v5+s22+$0x0] =	vst.idx.add.f32.msk $0xffff, v3  }
0x7b: {  	v5 =	vld [tilespmem:s5+$0x0];
	_ =	sdelay $0x3  }
.Ltmp3:
0x7c: {  	(pc) =	sbr.rel @p0 .LBB2_8-.Ltmp3, $3  }
0x7d: {  	v5 =	vadd.s32 v2, v5;
	_ =	sdelay $0x1  }
0x7e: {  	s0 =	sadd.s32 $0x20, s0  }
0x7f: {  	s3 =	sadd.s32 $0x10, s3;
	s28 =	sand.u32 $0x300, s0  }
0x80: {  	_ =	sdelay $0x2  }
0x81: {  	s0 =	sand.u32 $0x70, s25;
	s3 =	sadd.s32 s28, s8  }
0x82: {  	[tilespmem:v5+s22+$0x0] =	vst.idx.add.f32.msk $0xffff, v3;
	s0 =	sadd.s32 s0, s3  }
0x83: {  	v5 =	vld [tilespmem:s0+$0x0];
	_ =	sdelay $0x4  }
0x84: {  	v5 =	vadd.s32 v2, v5;
	_ =	sdelay $0x4  }
0x85: {  	[tilespmem:v5+s22+$0x0] =	vst.idx.add.f32.msk $0xffff, v3  }
0x86: {  	_ =	swait.ge [sflag:s23], $0x2000  }
0x87: {  	[sflag:s23] =	ssyncset.done $0x0  }
0x88: {  	[sflag:s23] =	ssyncadd.s32 $0xFFFFE000  }
0x89: {  	_ =	swait.ge [sflag:s24], $0x2000  }
0x8a: {  	s25 =	simm.s32 $0x0;
	s3 =	simm.s32 $0x4000;
	[sflag:s24] =	ssyncset.done $0x0  }
0x8b: {  	s0 =	simm.s32 $0x0;
	s31 =	rddreg [dreg:$0x7];
	[sflag:s24] =	ssyncadd.s32 $0xFFFFE000  }
0x8c: {  	[tilespmem:s0], [sflag:$0x1] =	stream.strided.gather [hbm4b:s31+s16], $0x2000, s17, s16, $0x38;
	[tilespmem:$0x8C10] =	vst v63  }
.LBB2_10:
0x8d: {  	p0 =	sne.s32 s25, $0x3F0  }
.Ltmp4:
0x8e: {  	_ = 	snop;
	(pc) =	sbr.rel @p0 .LBB2_10-.Ltmp4, $4  }
0x8f: {  	_ = 	snop  }
0x90: {  	s5 =	sadd.s32 s25, s10  }
0x91: {  	[tilespmem:s3], [sflag:$0x3] =	stream.linear.gather [hbm4b:s5+s0], $0x80, $0x38;
	[tilespmem:$0x8C10] =	vst v63  }
0x92: {  	s25 =	sadd.s32 $0x10, s25;
	s3 =	sadd.s32 $0x100, s3  }
0x93: {  	s3 =	sand.u32 $0xFC00, s0  }
0x94: {  	s5 =	sand.u32 $0x40, s0;
	s3 =	sshrl.u32 s3, $0x2  }
0x95: {  	s6 =	sor.u32 $0x30, s5;
	s3 =	sor.u32 $0x4000, s3  }
0x96: {  	s9 =	sor.u32 s6, s3  }
0x97: {  	v5 =	vld [tilespmem:s9+$0x80]  }
0x98: {  	s30 =	sand.u32 $0x1F80, s0;
	s29 =	sor.u32 $0x10, s5;
	s20 =	sor.u32 s5, s3  }
0x99: {  	s0 =	sor.u32 $0x2000, s30;
	s25 =	sor.u32 $0x20, s5;
	s31 =	sor.u32 s29, s3;
	v6 =	vld [tilespmem:s20+$0x80]  }
0x9a: {  	s30 =	simm.s32 $0x200;
	s6 =	sor.u32 s6, s0;
	s5 =	sor.u32 s5, s0;
	v7 =	vld [tilespmem:s31+$0x80]  }
0x9b: {  	s3 =	sor.u32 s25, s3;
	s29 =	sor.u32 s29, s0;
	v9 =	vld [tilespmem:s6+$0x0];
	s9 =	sand.u32 $0xFC00, s30  }
0x9c: {  	v12 =	vld [tilespmem:s3+$0x80];
	s31 =	sor.u32 s25, s0;
	s0 =	simm.s32 $0x40;
	s3 =	sshrl.u32 s9, $0x2;
	v8 =	vadd.s32 v2, v5  }
0x9d: {  	v10 =	vld [tilespmem:s5+$0x0];
	s5 =	sand.u32 $0x40, s0;
	s3 =	sor.u32 $0x4000, s3  }
0x9e: {  	v13 =	vld [tilespmem:s29+$0x0];
	s25 =	sor.u32 s5, s3  }
0x9f: {  	v14 =	vld [tilespmem:s25+$0x80]  }
0xa0: {  	s20 =	sor.u32 $0x30, s5;
	v6 =	vadd.s32 v2, v6;
	v5 =	vld [tilespmem:s31+$0x0]  }
0xa1: {  	s30 =	sor.u32 s20, s3;
	v7 =	vadd.s32 v2, v7;
	s31 =	sor.u32 $0x10, s5;
	[tilespmem:v8+s21+$0x0] =	vst.idx.add.f32.msk $0xffff, v9  }
0xa2: {  	s9 =	sor.u32 $0x20, s5;
	s28 =	sor.u32 s31, s3;
	v8 =	vld [tilespmem:s30+$0x80]  }
0xa3: {  	s3 =	sor.u32 s9, s3;
	v15 =	vld [tilespmem:s28+$0x80]  }
0xa4: {  	s29 =	sand.u32 $0x1F80, s0;
	v11 =	vld [tilespmem:s3+$0x80]  }
0xa5: {  	s25 =	sor.u32 $0x2000, s29;
	[tilespmem:v6+s21+$0x0] =	vst.idx.add.f32.msk $0xffff, v10  }
0xa6: {  	s30 =	sor.u32 s20, s25;
	[tilespmem:v7+s21+$0x0] =	vst.idx.add.f32.msk $0xffff, v13;
	v6 =	vadd.s32 v2, v12  }
0xa7: {  	s5 =	sor.u32 s5, s25;
	v9 =	vld [tilespmem:s30+$0x0];
	v13 =	vadd.s32 v2, v8  }
0xa8: {  	s31 =	sor.u32 s31, s25;
	v10 =	vld [tilespmem:s5+$0x0];
	v12 =	vadd.s32 v2, v14  }
0xa9: {  	s3 =	simm.s32 $0x4;
	s28 =	sor.u32 s9, s25;
	s25 =	simm.s32 $0x400;
	v7 =	vadd.s32 v2, v15;
	v8 =	vld [tilespmem:s31+$0x0]  }
.LBB2_12:
0xaa: {  	s5 =	sand.u32 $0xFC00, s25;
	s3 =	sadd.s32 $0x4, s3;
	v11 =	vadd.s32 v2, v11;
	v14 =	vld [tilespmem:s28+$0x0];
	s0 =	sadd.s32 $0x40, s0  }
0xab: {  	s6 =	sand.u32 $0x40, s0;
	s5 =	sshrl.u32 s5, $0x2;
	p0 =	slt.u32 s3, $0x1FC;
	[tilespmem:v6+s21+$0x0] =	vst.idx.add.f32.msk $0xffff, v5;
	v6 =	vmov v11  }
0xac: {  	s5 =	sor.u32 $0x4000, s5;
	s9 =	sor.u32 $0x10, s6;
	s20 =	sor.u32 $0x30, s6;
	[tilespmem:v13+s21+$0x0] =	vst.idx.add.f32.msk $0xffff, v9  }
0xad: {  	s29 =	sor.u32 $0x20, s6;
	s28 =	sor.u32 s6, s5;
	s30 =	sor.u32 s20, s5;
	[tilespmem:v12+s21+$0x0] =	vst.idx.add.f32.msk $0xffff, v10  }
0xae: {  	s31 =	sor.u32 s9, s5;
	s5 =	sor.u32 s29, s5;
	v9 =	vld [tilespmem:s30+$0x80]  }
0xaf: {  	v10 =	vld [tilespmem:s28+$0x80];
	v5 =	vmov v14  }
0xb0: {  	s28 =	sand.u32 $0x1F80, s0;
	v14 =	vld [tilespmem:s31+$0x80]  }
.Ltmp5:
0xb1: {  	s28 =	sor.u32 $0x2000, s28;
	v11 =	vld [tilespmem:s5+$0x80];
	(pc) =	sbr.rel @p0 .LBB2_12-.Ltmp5, $4  }
0xb2: {  	s5 =	sor.u32 s6, s28;
	s6 =	sor.u32 s9, s28;
	s9 =	sor.u32 s20, s28;
	[tilespmem:v7+s21+$0x0] =	vst.idx.add.f32.msk $0xffff, v8  }
0xb3: {  	s28 =	sor.u32 s29, s28;
	v13 =	vadd.s32 v2, v9;
	v9 =	vld [tilespmem:s9+$0x0]  }
0xb4: {  	v12 =	vadd.s32 v2, v10;
	v10 =	vld [tilespmem:s5+$0x0]  }
0xb5: {  	s25 =	sadd.s32 $0x200, s25;
	s29 =	simm.s32 $0x0;
	v7 =	vadd.s32 v2, v14;
	v8 =	vld [tilespmem:s6+$0x0]  }
0xb6: {  	_ =	sdelay $0x2  }
0xb7: {  	v11 =	vadd.s32 v2, v11;
	v14 =	vld [tilespmem:s28+$0x0]  }
0xb8: {  	[tilespmem:v6+s21+$0x0] =	vst.idx.add.f32.msk $0xffff, v5  }
0xb9: {  	[tilespmem:v13+s21+$0x0] =	vst.idx.add.f32.msk $0xffff, v9  }
0xba: {  	s0 =	sand.u32 $0x300, s29;
	[tilespmem:v12+s21+$0x0] =	vst.idx.add.f32.msk $0xffff, v10  }
0xbb: {  	s3 =	sand.u32 $0x70, s29;
	s0 =	sadd.s32 s0, s8;
	[tilespmem:v7+s21+$0x0] =	vst.idx.add.f32.msk $0xffff, v8  }
0xbc: {  	s0 =	sadd.s32 s3, s0;
	[tilespmem:v11+s21+$0x0] =	vst.idx.add.f32.msk $0xffff, v14  }
0xbd: {  	v5 =	vld [tilespmem:s0+$0x80];
	_ =	sdelay $0x4  }
0xbe: {  	v5 =	vadd.s32 v2, v5;
	_ =	sdelay $0x1  }
0xbf: {  	s0 =	simm.s32 $0x20  }
0xc0: {  	s25 =	simm.s32 $0x10;
	s3 =	simm.s32 $0x20;
	s28 =	sand.u32 $0x300, s0  }
.LBB2_14:
0xc1: {  	p0 =	sne.s32 s3, $0x1F0;
	s5 =	sand.u32 $0x70, s25;
	s6 =	sadd.s32 s28, s8  }
0xc2: {  	s25 =	smov.u32 s3;
	s5 =	sadd.s32 s5, s6;
	[tilespmem:v5+s22+$0x0] =	vst.idx.add.f32.msk $0xffff, v3  }
0xc3: {  	v5 =	vld [tilespmem:s5+$0x80];
	_ =	sdelay $0x3  }
.Ltmp6:
0xc4: {  	(pc) =	sbr.rel @p0 .LBB2_14-.Ltmp6, $3  }
0xc5: {  	v5 =	vadd.s32 v2, v5;
	_ =	sdelay $0x1  }
0xc6: {  	s0 =	sadd.s32 $0x20, s0  }
0xc7: {  	s3 =	sadd.s32 $0x10, s3;
	s28 =	sand.u32 $0x300, s0  }
0xc8: {  	_ =	sdelay $0x2  }
0xc9: {  	s0 =	sand.u32 $0x70, s25;
	s3 =	sadd.s32 s28, s8  }
0xca: {  	[tilespmem:v5+s22+$0x0] =	vst.idx.add.f32.msk $0xffff, v3;
	s0 =	sadd.s32 s0, s3  }
0xcb: {  	v5 =	vld [tilespmem:s0+$0x80];
	_ =	sdelay $0x4  }
0xcc: {  	v5 =	vadd.s32 v2, v5;
	_ =	sdelay $0x4  }
0xcd: {  	[tilespmem:v5+s22+$0x0] =	vst.idx.add.f32.msk $0xffff, v3  }
0xce: {  	_ =	swait.ge [sflag:s18], $0x2000  }
0xcf: {  	[sflag:s18] =	ssyncset.done $0x0  }
0xd0: {  	[sflag:s18] =	ssyncadd.s32 $0xFFFFE000  }
0xd1: {  	_ =	swait.ge [sflag:s19], $0x2000  }
0xd2: {  	s25 =	simm.s32 $0x0;
	s3 =	simm.s32 $0x4080;
	[sflag:s19] =	ssyncset.done $0x0  }
0xd3: {  	s0 =	simm.s32 $0x0;
	s31 =	rddreg [dreg:$0x8];
	[sflag:s19] =	ssyncadd.s32 $0xFFFFE000  }
0xd4: {  	[tilespmem:s11], [sflag:$0x2] =	stream.strided.gather [hbm4b:s31+s16], $0x2000, s17, s16, $0x38;
	[tilespmem:$0x8C10] =	vst v63  }
.LBB2_16:
0xd5: {  	p0 =	sne.s32 s25, $0x3F0  }
.Ltmp7:
0xd6: {  	_ = 	snop;
	(pc) =	sbr.rel @p0 .LBB2_16-.Ltmp7, $4  }
0xd7: {  	_ = 	snop  }
0xd8: {  	s5 =	sadd.s32 s25, s12  }
0xd9: {  	[tilespmem:s3], [sflag:$0x4] =	stream.linear.gather [hbm4b:s5+s0], $0x80, $0x38;
	[tilespmem:$0x8C10] =	vst v63  }
0xda: {  	s25 =	sadd.s32 $0x10, s25;
	s3 =	sadd.s32 $0x100, s3  }
0xdb: {  	s3 =	sand.u32 $0xFC00, s0  }
0xdc: {  	s5 =	sand.u32 $0x40, s0;
	s3 =	sshrl.u32 s3, $0x2  }
0xdd: {  	s6 =	sor.u32 $0x30, s5;
	s3 =	sor.u32 $0x4000, s3  }
0xde: {  	s9 =	sor.u32 s6, s3  }
0xdf: {  	s20 =	sor.u32 s5, s3;
	v5 =	vld [tilespmem:s9+$0x0]  }
0xe0: {  	s29 =	sor.u32 $0x10, s5;
	v6 =	vld [tilespmem:s20+$0x0]  }
0xe1: {  	v7 =	vld [tilespmem:s0+$0x0];
	s31 =	sand.u32 $0x1F80, s0;
	s30 =	sor.u32 s29, s3  }
0xe2: {  	s5 =	sor.u32 $0x20, s5;
	s6 =	sor.u32 s6, s31;
	v8 =	vld [tilespmem:s30+$0x0]  }
0xe3: {  	s3 =	sor.u32 s5, s3;
	v10 =	vld [tilespmem:s6+$0x0]  }
0xe4: {  	s0 =	sor.u32 s5, s31;
	s9 =	simm.s32 $0x200;
	v13 =	vld [tilespmem:s3+$0x0]  }
0xe5: {  	s3 =	sand.u32 $0xFC00, s9;
	v9 =	vadd.s32 v2, v5;
	v11 =	vadd.s32 v2, v6;
	v6 =	vld [tilespmem:s0+$0x0];
	s0 =	simm.s32 $0x40  }
0xe6: {  	s6 =	sor.u32 s29, s31;
	s3 =	sshrl.u32 s3, $0x2;
	s11 =	sand.u32 $0x40, s0  }
0xe7: {  	v12 =	vld [tilespmem:s6+$0x0];
	s3 =	sor.u32 $0x4000, s3;
	s20 =	sor.u32 $0x30, s11;
	s31 =	sor.u32 $0x10, s11  }
0xe8: {  	v5 =	vld [tilespmem:s0+$0x0];
	s25 =	sor.u32 s11, s3;
	s5 =	sor.u32 $0x20, s11;
	s11 =	sor.u32 s31, s3  }
0xe9: {  	v15 =	vld [tilespmem:s11+$0x0]  }
0xea: {  	v8 =	vadd.s32 v2, v8;
	s30 =	sor.u32 s20, s3;
	[tilespmem:v9+s21+$0x0] =	vst.idx.add.f32.msk $0xffff, v10  }
0xeb: {  	v9 =	vld [tilespmem:s30+$0x0]  }
0xec: {  	v10 =	vld [tilespmem:s25+$0x0]  }
0xed: {  	s3 =	sor.u32 s5, s3;
	[tilespmem:v11+s21+$0x0] =	vst.idx.add.f32.msk $0xffff, v7  }
0xee: {  	s29 =	sand.u32 $0x1F80, s0;
	v11 =	vld [tilespmem:s3+$0x0];
	v7 =	vadd.s32 v2, v13  }
0xef: {  	s30 =	sor.u32 s20, s29;
	[tilespmem:v8+s21+$0x0] =	vst.idx.add.f32.msk $0xffff, v12  }
0xf0: {  	s31 =	sor.u32 s31, s29;
	v12 =	vld [tilespmem:s30+$0x0];
	v14 =	vadd.s32 v2, v9  }
0xf1: {  	s5 =	sor.u32 s5, s29;
	v8 =	vld [tilespmem:s31+$0x0];
	v13 =	vadd.s32 v2, v10  }
0xf2: {  	s28 =	simm.s32 $0x80;
	s3 =	simm.s32 $0x4;
	s25 =	simm.s32 $0x400;
	v9 =	vadd.s32 v2, v15;
	v10 =	vld [tilespmem:s5+$0x0]  }
.LBB2_18:
0xf3: {  	s5 =	sand.u32 $0xFC00, s25;
	s3 =	sadd.s32 $0x4, s3;
	s0 =	sadd.s32 $0x40, s0;
	[tilespmem:v7+s21+$0x0] =	vst.idx.add.f32.msk $0xffff, v6;
	v7 =	vadd.s32 v2, v11  }
0xf4: {  	s6 =	sand.u32 $0x40, s0;
	s5 =	sshrl.u32 s5, $0x2;
	v11 =	vld [tilespmem:s28+$0x0];
	p0 =	slt.u32 s3, $0x1FC  }
0xf5: {  	s5 =	sor.u32 $0x4000, s5;
	s9 =	sor.u32 $0x10, s6;
	s20 =	sor.u32 $0x30, s6;
	[tilespmem:v14+s21+$0x0] =	vst.idx.add.f32.msk $0xffff, v12  }
0xf6: {  	s29 =	sor.u32 s6, s5;
	s6 =	sor.u32 $0x20, s6;
	s30 =	sor.u32 s20, s5;
	[tilespmem:v13+s21+$0x0] =	vst.idx.add.f32.msk $0xffff, v5  }
0xf7: {  	s31 =	sor.u32 s9, s5;
	s5 =	sor.u32 s6, s5;
	v12 =	vld [tilespmem:s30+$0x0];
	v6 =	vmov v10  }
0xf8: {  	v10 =	vld [tilespmem:s29+$0x0]  }
0xf9: {  	v15 =	vld [tilespmem:s31+$0x0];
	v5 =	vmov v11  }
.Ltmp8:
0xfa: {  	s29 =	sand.u32 $0x1F80, s0;
	v11 =	vld [tilespmem:s5+$0x0];
	(pc) =	sbr.rel @p0 .LBB2_18-.Ltmp8, $4  }
0xfb: {  	s6 =	sor.u32 s6, s29;
	s5 =	sor.u32 s9, s29;
	s9 =	sor.u32 s20, s29;
	[tilespmem:v9+s21+$0x0] =	vst.idx.add.f32.msk $0xffff, v8  }
0xfc: {  	v14 =	vadd.s32 v2, v12;
	v12 =	vld [tilespmem:s9+$0x0]  }
0xfd: {  	v13 =	vadd.s32 v2, v10;
	v8 =	vld [tilespmem:s5+$0x0]  }
0xfe: {  	s25 =	sadd.s32 $0x200, s25;
	s28 =	sadd.s32 $0x40, s28;
	s29 =	simm.s32 $0x0;
	v9 =	vadd.s32 v2, v15;
	v10 =	vld [tilespmem:s6+$0x0]  }
0xff: {  	_ =	sdelay $0x2  }
0x100: {  	v11 =	vadd.s32 v2, v11  }
0x101: {  	[tilespmem:v7+s21+$0x0] =	vst.idx.add.f32.msk $0xffff, v6  }
0x102: {  	[tilespmem:v13+s21+$0x0] =	vst.idx.add.f32.msk $0xffff, v5  }
0x103: {  	s0 =	sand.u32 $0x300, s29;
	[tilespmem:v14+s21+$0x0] =	vst.idx.add.f32.msk $0xffff, v12  }
0x104: {  	s3 =	sand.u32 $0x70, s29;
	s0 =	sadd.s32 s0, s8;
	[tilespmem:v9+s21+$0x0] =	vst.idx.add.f32.msk $0xffff, v8  }
0x105: {  	s0 =	sadd.s32 s3, s0;
	[tilespmem:v11+s21+$0x0] =	vst.idx.add.f32.msk $0xffff, v10  }
0x106: {  	v5 =	vld [tilespmem:s0+$0x0];
	_ =	sdelay $0x4  }
0x107: {  	v5 =	vadd.s32 v2, v5;
	_ =	sdelay $0x1  }
0x108: {  	s0 =	simm.s32 $0x20  }
0x109: {  	s25 =	simm.s32 $0x10;
	s3 =	simm.s32 $0x20;
	s28 =	sand.u32 $0x300, s0  }
.LBB2_20:
0x10a: {  	p0 =	sne.s32 s3, $0x1F0;
	s5 =	sand.u32 $0x70, s25;
	s6 =	sadd.s32 s28, s8  }
0x10b: {  	s25 =	smov.u32 s3;
	s5 =	sadd.s32 s5, s6;
	[tilespmem:v5+s22+$0x0] =	vst.idx.add.f32.msk $0xffff, v3  }
0x10c: {  	v5 =	vld [tilespmem:s5+$0x0];
	_ =	sdelay $0x3  }
.Ltmp9:
0x10d: {  	(pc) =	sbr.rel @p0 .LBB2_20-.Ltmp9, $3  }
0x10e: {  	v5 =	vadd.s32 v2, v5;
	_ =	sdelay $0x1  }
0x10f: {  	s0 =	sadd.s32 $0x20, s0  }
0x110: {  	s3 =	sadd.s32 $0x10, s3;
	s28 =	sand.u32 $0x300, s0  }
0x111: {  	_ =	sdelay $0x2  }
0x112: {  	s0 =	sand.u32 $0x70, s25;
	s3 =	sadd.s32 s28, s8  }
0x113: {  	[tilespmem:v5+s22+$0x0] =	vst.idx.add.f32.msk $0xffff, v3;
	s0 =	sadd.s32 s0, s3  }
0x114: {  	v5 =	vld [tilespmem:s0+$0x0];
	_ =	sdelay $0x4  }
0x115: {  	v5 =	vadd.s32 v2, v5;
	_ =	sdelay $0x4  }
0x116: {  	[tilespmem:v5+s22+$0x0] =	vst.idx.add.f32.msk $0xffff, v3  }
0x117: {  	_ =	swait.ge [sflag:s23], $0x2000  }
0x118: {  	s0 =	simm.s32 $0x0;
	[sflag:s23] =	ssyncset.done $0x0  }
0x119: {  	s9 =	sand.u32 $0xFC00, s0;
	[sflag:s23] =	ssyncadd.s32 $0xFFFFE000  }
0x11a: {  	s5 =	sand.u32 $0x40, s0;
	s3 =	sshrl.u32 s9, $0x2;
	_ =	swait.ge [sflag:s24], $0x2000  }
0x11b: {  	s6 =	sor.u32 $0x30, s5;
	s3 =	sor.u32 $0x4000, s3;
	[sflag:s24] =	ssyncset.done $0x0  }
0x11c: {  	s9 =	sor.u32 s6, s3;
	[sflag:s24] =	ssyncadd.s32 $0xFFFFE000  }
0x11d: {  	v5 =	vld [tilespmem:s9+$0x80]  }
0x11e: {  	s25 =	sand.u32 $0x1F80, s0;
	s11 =	sor.u32 $0x10, s5;
	s20 =	sor.u32 s5, s3  }
0x11f: {  	s30 =	sor.u32 s11, s3;
	v6 =	vld [tilespmem:s20+$0x80];
	s20 =	sor.u32 $0x2000, s25  }
0x120: {  	s31 =	sor.u32 $0x20, s5;
	v7 =	vld [tilespmem:s30+$0x80];
	s6 =	sor.u32 s6, s20  }
0x121: {  	s5 =	sor.u32 s5, s20;
	s9 =	sor.u32 s11, s20;
	s11 =	simm.s32 $0x200;
	v9 =	vld [tilespmem:s6+$0x0]  }
0x122: {  	s3 =	sor.u32 s31, s3;
	v10 =	vld [tilespmem:s5+$0x0];
	s5 =	sand.u32 $0xFC00, s11;
	v8 =	vadd.s32 v2, v5  }
0x123: {  	v12 =	vld [tilespmem:s3+$0x80];
	s3 =	simm.s32 $0x40;
	s5 =	sshrl.u32 s5, $0x2  }
0x124: {  	s20 =	sor.u32 s31, s20;
	v13 =	vld [tilespmem:s9+$0x0];
	s6 =	sand.u32 $0x40, s3;
	s5 =	sor.u32 $0x4000, s5  }
0x125: {  	v5 =	vld [tilespmem:s20+$0x0];
	s28 =	sor.u32 s6, s5  }
0x126: {  	s25 =	sor.u32 $0x30, s6;
	v6 =	vadd.s32 v2, v6;
	v14 =	vld [tilespmem:s28+$0x80]  }
0x127: {  	s31 =	sor.u32 $0x10, s6;
	v7 =	vadd.s32 v2, v7;
	s30 =	sor.u32 s25, s5;
	[tilespmem:v8+s21+$0x0] =	vst.idx.add.f32.msk $0xffff, v9  }
0x128: {  	s11 =	sor.u32 $0x20, s6;
	s29 =	sor.u32 s31, s5;
	v8 =	vld [tilespmem:s30+$0x80]  }
0x129: {  	s5 =	sor.u32 s11, s5;
	v15 =	vld [tilespmem:s29+$0x80]  }
0x12a: {  	s28 =	sand.u32 $0x1F80, s3;
	v11 =	vld [tilespmem:s5+$0x80]  }
0x12b: {  	s28 =	sor.u32 $0x2000, s28;
	[tilespmem:v6+s21+$0x0] =	vst.idx.add.f32.msk $0xffff, v10  }
0x12c: {  	s30 =	sor.u32 s25, s28;
	[tilespmem:v7+s21+$0x0] =	vst.idx.add.f32.msk $0xffff, v13;
	v6 =	vadd.s32 v2, v12  }
0x12d: {  	s6 =	sor.u32 s6, s28;
	v9 =	vld [tilespmem:s30+$0x0];
	v13 =	vadd.s32 v2, v8  }
0x12e: {  	s31 =	sor.u32 s31, s28;
	v10 =	vld [tilespmem:s6+$0x0];
	v12 =	vadd.s32 v2, v14  }
0x12f: {  	s29 =	sor.u32 s11, s28;
	s25 =	simm.s32 $0x4;
	s28 =	simm.s32 $0x400;
	v7 =	vadd.s32 v2, v15;
	v8 =	vld [tilespmem:s31+$0x0]  }
.LBB2_22:
0x130: {  	s5 =	sand.u32 $0xFC00, s28;
	s25 =	sadd.s32 $0x4, s25;
	v11 =	vadd.s32 v2, v11;
	v14 =	vld [tilespmem:s29+$0x0];
	s3 =	sadd.s32 $0x40, s3  }
0x131: {  	s6 =	sand.u32 $0x40, s3;
	s5 =	sshrl.u32 s5, $0x2;
	p0 =	slt.u32 s25, $0x1FC;
	[tilespmem:v6+s21+$0x0] =	vst.idx.add.f32.msk $0xffff, v5;
	v6 =	vmov v11  }
0x132: {  	s5 =	sor.u32 $0x4000, s5;
	s9 =	sor.u32 $0x10, s6;
	s20 =	sor.u32 $0x30, s6;
	[tilespmem:v13+s21+$0x0] =	vst.idx.add.f32.msk $0xffff, v9  }
0x133: {  	s30 =	sor.u32 $0x20, s6;
	s29 =	sor.u32 s6, s5;
	s31 =	sor.u32 s20, s5;
	[tilespmem:v12+s21+$0x0] =	vst.idx.add.f32.msk $0xffff, v10  }
0x134: {  	s11 =	sor.u32 s9, s5;
	s5 =	sor.u32 s30, s5;
	v9 =	vld [tilespmem:s31+$0x80]  }
0x135: {  	v10 =	vld [tilespmem:s29+$0x80];
	v5 =	vmov v14  }
0x136: {  	s29 =	sand.u32 $0x1F80, s3;
	v14 =	vld [tilespmem:s11+$0x80]  }
.Ltmp10:
0x137: {  	s11 =	sor.u32 $0x2000, s29;
	v11 =	vld [tilespmem:s5+$0x80];
	(pc) =	sbr.rel @p0 .LBB2_22-.Ltmp10, $4  }
0x138: {  	s5 =	sor.u32 s6, s11;
	s6 =	sor.u32 s9, s11;
	s9 =	sor.u32 s20, s11;
	[tilespmem:v7+s21+$0x0] =	vst.idx.add.f32.msk $0xffff, v8  }
0x139: {  	s29 =	sor.u32 s30, s11;
	v13 =	vadd.s32 v2, v9;
	v9 =	vld [tilespmem:s9+$0x0]  }
0x13a: {  	v12 =	vadd.s32 v2, v10;
	v10 =	vld [tilespmem:s5+$0x0]  }
0x13b: {  	s28 =	sadd.s32 $0x200, s28;
	v7 =	vadd.s32 v2, v14;
	v8 =	vld [tilespmem:s6+$0x0]  }
0x13c: {  	_ =	sdelay $0x2  }
0x13d: {  	v11 =	vadd.s32 v2, v11;
	v14 =	vld [tilespmem:s29+$0x0]  }
0x13e: {  	[tilespmem:v6+s21+$0x0] =	vst.idx.add.f32.msk $0xffff, v5  }
0x13f: {  	[tilespmem:v13+s21+$0x0] =	vst.idx.add.f32.msk $0xffff, v9  }
0x140: {  	s3 =	sand.u32 $0x300, s0;
	[tilespmem:v12+s21+$0x0] =	vst.idx.add.f32.msk $0xffff, v10  }
0x141: {  	s31 =	sand.u32 $0x70, s0;
	s3 =	sadd.s32 s3, s8;
	[tilespmem:v7+s21+$0x0] =	vst.idx.add.f32.msk $0xffff, v8  }
0x142: {  	s0 =	sadd.s32 s31, s3;
	[tilespmem:v11+s21+$0x0] =	vst.idx.add.f32.msk $0xffff, v14  }
0x143: {  	v5 =	vld [tilespmem:s0+$0x80];
	_ =	sdelay $0x4  }
0x144: {  	v5 =	vadd.s32 v2, v5;
	_ =	sdelay $0x1  }
0x145: {  	s0 =	simm.s32 $0x20  }
0x146: {  	s25 =	simm.s32 $0x10;
	s3 =	simm.s32 $0x20;
	s28 =	sand.u32 $0x300, s0  }
.LBB2_24:
0x147: {  	p0 =	sne.s32 s3, $0x1F0;
	s5 =	sand.u32 $0x70, s25;
	s6 =	sadd.s32 s28, s8  }
0x148: {  	s25 =	smov.u32 s3;
	s5 =	sadd.s32 s5, s6;
	[tilespmem:v5+s22+$0x0] =	vst.idx.add.f32.msk $0xffff, v3  }
0x149: {  	v5 =	vld [tilespmem:s5+$0x80];
	_ =	sdelay $0x3  }
.Ltmp11:
0x14a: {  	(pc) =	sbr.rel @p0 .LBB2_24-.Ltmp11, $3  }
0x14b: {  	v5 =	vadd.s32 v2, v5;
	_ =	sdelay $0x1  }
0x14c: {  	s0 =	sadd.s32 $0x20, s0  }
0x14d: {  	s3 =	sadd.s32 $0x10, s3;
	s28 =	sand.u32 $0x300, s0  }
0x14e: {  	_ =	sdelay $0x2  }
0x14f: {  	s0 =	sand.u32 $0x70, s25;
	s3 =	sadd.s32 s28, s8  }
0x150: {  	[tilespmem:v5+s22+$0x0] =	vst.idx.add.f32.msk $0xffff, v3;
	s0 =	sadd.s32 s0, s3  }
0x151: {  	v5 =	vld [tilespmem:s0+$0x80];
	_ =	sdelay $0x4  }
0x152: {  	v5 =	vadd.s32 v2, v5;
	_ =	sdelay $0x4  }
0x153: {  	[tilespmem:v5+s22+$0x0] =	vst.idx.add.f32.msk $0xffff, v3  }
0x154: {  	v5 =	vld [tilespmem:$0x8100];
	_ =	sdelay $0x1  }
0x155: {  	v6 =	vld [tilespmem:$0x8110];
	_ =	sdelay $0x1  }
0x156: {  	v7 =	vld [tilespmem:$0x8120]  }
0x157: {  	v5 =	vadd.f32 $0.0e+00, v5  }
0x158: {  	v8 =	vld [tilespmem:$0x8130]  }
0x159: {  	v5 =	vadd.f32 v6, v5  }
0x15a: {  	v6 =	vld [tilespmem:$0x8140]  }
0x15b: {  	v5 =	vadd.f32 v7, v5  }
0x15c: {  	v7 =	vld [tilespmem:$0x8150]  }
0x15d: {  	v5 =	vadd.f32 v8, v5  }
0x15e: {  	v50 =	vld [tilespmem:$0x8160]  }
0x15f: {  	v5 =	vadd.f32 v6, v5  }
0x160: {  	v6 =	vld [tilespmem:$0x8170]  }
0x161: {  	v5 =	vadd.f32 v7, v5  }
0x162: {  	v7 =	vld [tilespmem:$0x8180]  }
0x163: {  	v5 =	vadd.f32 v50, v5  }
0x164: {  	v51 =	vld [tilespmem:$0x8190]  }
0x165: {  	v5 =	vadd.f32 v6, v5  }
0x166: {  	v6 =	vld [tilespmem:$0x81A0]  }
0x167: {  	v5 =	vadd.f32 v7, v5  }
0x168: {  	v7 =	vld [tilespmem:$0x81B0]  }
0x169: {  	v5 =	vadd.f32 v51, v5  }
0x16a: {  	v52 =	vld [tilespmem:$0x81C0]  }
0x16b: {  	v5 =	vadd.f32 v6, v5  }
0x16c: {  	v6 =	vld [tilespmem:$0x81D0]  }
0x16d: {  	v5 =	vadd.f32 v7, v5  }
0x16e: {  	v7 =	vld [tilespmem:$0x81E0]  }
0x16f: {  	v5 =	vadd.f32 v52, v5  }
0x170: {  	v53 =	vld [tilespmem:$0x81F0]  }
0x171: {  	v5 =	vadd.f32 v6, v5;
	_ =	sdelay $0x1  }
0x172: {  	v5 =	vadd.f32 v7, v5;
	_ =	sdelay $0x1  }
0x173: {  	v5 =	vadd.f32 v53, v5;
	_ =	sdelay $0x1  }
0x174: {  	s20 =	simm.s32 $0x8280;
	[tilespmem:$0x8280] =	vst v5  }
0x175: {  	[spmem:s13] =	stream.linear.scatter [tilespmem:s20], [sflag:$0x5], $0x80, $0x38;
	[tilespmem:$0x8C10] =	vst v63  }
0x176: {  	_ =	swait.ge [sflag:s26], $0x80  }
0x177: {  	[sflag:s26] =	ssyncset.done $0x0  }
0x178: {  	[sflag:s26] =	ssyncadd.s32 $0xFFFFFF80  }
0x179: {  	[bflag:$0x0] =	sbarrier.arrive $0xFFFF  }
0x17a: {  	s28 =	simm.s32 $0x8300;
	s25 =	rddreg [dreg:$0x3]  }
0x17b: {  	[tilespmem:s28], [sflag:$0x5] =	stream.linear.gather [spmem:s25], $0x800, $0x38;
	[tilespmem:$0x8C10] =	vst v63  }
0x17c: {  	_ =	swait.ge [sflag:s26], $0x800  }
0x17d: {  	[sflag:s26] =	ssyncset.done $0x0  }
0x17e: {  	[sflag:s26] =	ssyncadd.s32 $0xFFFFF800  }
0x17f: {  	v5 =	vld [tilespmem:$0x8300];
	_ =	sdelay $0x1  }
0x180: {  	v6 =	vld [tilespmem:$0x8380];
	_ =	sdelay $0x1  }
0x181: {  	v7 =	vld [tilespmem:$0x8400]  }
0x182: {  	v5 =	vadd.f32 $0.0e+00, v5  }
0x183: {  	v54 =	vld [tilespmem:$0x8480]  }
0x184: {  	v5 =	vadd.f32 v6, v5  }
0x185: {  	v6 =	vld [tilespmem:$0x8500]  }
0x186: {  	v5 =	vadd.f32 v7, v5  }
0x187: {  	v7 =	vld [tilespmem:$0x8580]  }
0x188: {  	v5 =	vadd.f32 v54, v5  }
0x189: {  	v55 =	vld [tilespmem:$0x8600]  }
0x18a: {  	v5 =	vadd.f32 v6, v5  }
0x18b: {  	v6 =	vld [tilespmem:$0x8680]  }
0x18c: {  	v5 =	vadd.f32 v7, v5  }
0x18d: {  	v7 =	vld [tilespmem:$0x8700]  }
0x18e: {  	v5 =	vadd.f32 v55, v5  }
0x18f: {  	v56 =	vld [tilespmem:$0x8780]  }
0x190: {  	v5 =	vadd.f32 v6, v5  }
0x191: {  	v6 =	vld [tilespmem:$0x8800]  }
0x192: {  	v5 =	vadd.f32 v7, v5  }
0x193: {  	v7 =	vld [tilespmem:$0x8880]  }
0x194: {  	v5 =	vadd.f32 v56, v5  }
0x195: {  	v57 =	vld [tilespmem:$0x8900]  }
0x196: {  	v5 =	vadd.f32 v6, v5  }
0x197: {  	v6 =	vld [tilespmem:$0x8980]  }
0x198: {  	v5 =	vadd.f32 v7, v5  }
0x199: {  	v7 =	vld [tilespmem:$0x8A00]  }
0x19a: {  	v5 =	vadd.f32 v57, v5  }
0x19b: {  	v58 =	vld [tilespmem:$0x8A80]  }
0x19c: {  	v5 =	vadd.f32 v6, v5;
	_ =	sdelay $0x1  }
0x19d: {  	v5 =	vadd.f32 v7, v5;
	_ =	sdelay $0x1  }
0x19e: {  	v5 =	vadd.f32 v58, v5;
	_ =	sdelay $0x1  }
0x19f: {  	vm0 =	vgt.f32 v5, $5.000000000e-01  }
0x1a0: {  	v5 =	vsel vm0, $0x1, v4  }
0x1a1: {  	(xrf0) =	vadd.scan.msk.s32 $0xffff, v5;
	_ =	sdelay $0x5  }
0x1a2: {  	v5, _, _ =	vpop (xrf0)  }
0x1a3: {  	v5 =	vadd.s32 $0xFFFFFFFF, v5;
	_ =	sdelay $0x3  }
0x1a4: {  	s29 =	simm.s32 $0x8B80;
	[tilespmem:$0x8B80] =	vst v4  }
0x1a5: {  	[tilespmem:v5+s29+$0x0] =	vst.idx.msk vm0, v1  }
0x1a6: {  	v5 =	vld [tilespmem:$0x8000];
	_ =	sdelay $0x1  }
0x1a7: {  	v6 =	vld [tilespmem:$0x8010];
	_ =	sdelay $0x1  }
0x1a8: {  	v7 =	vld [tilespmem:$0x8020]  }
0x1a9: {  	v5 =	vadd.f32 $0.0e+00, v5  }
0x1aa: {  	v59 =	vld [tilespmem:$0x8030]  }
0x1ab: {  	v5 =	vadd.f32 v6, v5  }
0x1ac: {  	v6 =	vld [tilespmem:$0x8040]  }
0x1ad: {  	v5 =	vadd.f32 v7, v5  }
0x1ae: {  	v7 =	vld [tilespmem:$0x8050]  }
0x1af: {  	v5 =	vadd.f32 v59, v5  }
0x1b0: {  	v60 =	vld [tilespmem:$0x8060]  }
0x1b1: {  	v5 =	vadd.f32 v6, v5  }
0x1b2: {  	v6 =	vld [tilespmem:$0x8070]  }
0x1b3: {  	v5 =	vadd.f32 v7, v5  }
0x1b4: {  	v7 =	vld [tilespmem:$0x8080]  }
0x1b5: {  	v5 =	vadd.f32 v60, v5  }
0x1b6: {  	v61 =	vld [tilespmem:$0x8090]  }
0x1b7: {  	v5 =	vadd.f32 v6, v5  }
0x1b8: {  	v6 =	vld [tilespmem:$0x80A0]  }
0x1b9: {  	v5 =	vadd.f32 v7, v5  }
0x1ba: {  	v7 =	vld [tilespmem:$0x80B0]  }
0x1bb: {  	v5 =	vadd.f32 v61, v5  }
0x1bc: {  	v62 =	vld [tilespmem:$0x80C0]  }
0x1bd: {  	v5 =	vadd.f32 v6, v5  }
0x1be: {  	v6 =	vld [tilespmem:$0x80D0]  }
0x1bf: {  	v5 =	vadd.f32 v7, v5  }
0x1c0: {  	v7 =	vld [tilespmem:$0x80E0]  }
0x1c1: {  	v9 =	vld [tilespmem:$0x8B80];
	v5 =	vadd.f32 v62, v5  }
0x1c2: {  	v63 =	vld [tilespmem:$0x80F0]  }
0x1c3: {  	v5 =	vadd.f32 v6, v5;
	_ =	sdelay $0x1  }
0x1c4: {  	v5 =	vadd.f32 v7, v5;
	_ =	sdelay $0x1  }
0x1c5: {  	v5 =	vadd.f32 v63, v5;
	_ =	sdelay $0x1  }
0x1c6: {  	s30 =	simm.s32 $0x8B00;
	[tilespmem:$0x8B00] =	vst v5  }
0x1c7: {  	v5 =	vld.idx.msk [tilespmem:v9+s30+$0x0], $0xffff;
	_ =	sdelay $0x2  }
0x1c8: {  	s2 =	sadd.s32 $0x1, s2  }
0x1c9: {  	p0 =	sne.s32 s2, s15  }
.Ltmp12:
0x1ca: {  	s31 =	simm.s32 $0x8200;
	[tilespmem:$0x8200] =	vst v5;
	(pc) =	sbr.rel @p0 .LBB2_1-.Ltmp12, $4  }
0x1cb: {  	[hbm4b:s14+s4] =	stream.linear.scatter [tilespmem:s31], [sflag:$0x5], $0x80, $0x38;
	[tilespmem:$0x8C10] =	vst v63  }
0x1cc: {  	_ =	swait.ge [sflag:s26], $0x80  }
0x1cd: {  	[sflag:s26] =	ssyncset.done $0x0  }
0x1ce: {  	s11 =	simm.s32 $0x2000;
	[sflag:s26] =	ssyncadd.s32 $0xFFFFFF80  }
0x1cf: {  	_ =	sfence.sel $0x180000  }
0x1d0: {  	[bflag:$0x0] =	sbarrier.arrive $0xFFFF  }
0x1d1: {  	_ =	strace $0x90000047  }
0x1d2: {  	s0 =	stileid.u32;
	[bflag:$0x2] =	sbarrier.arrive $0xFFFF  }
0x1d3: {  	p0 =	sne.s32 s0, $0x0;
	s0 =	rddreg [dreg:$0x4]  }
0x1d4: {  	s0 =	sadd.s32 @!p0 $0x100000, s0  }
0x1d5: {  	[sflag:s0] =	ssyncadd.tile.s32 @!p0 $0x1;
	_ =	shalt  }
.Lfunc_end2:
_tile_overlayer_lowered:
.L_overlay_start_2:
0x1d6: {  	(tag) =	ssettag $0x2  }
0x1d7: {  	s0 =	rddreg [dreg:$0x0];
	s2 =	stileid.u32  }
0x1d8: {  	s1 =	rddreg [dreg:$0x1];
	p0 =	sne.s32 s2, $0x0  }
0x1d9: {  	s3 =	rddreg [dreg:$0x2];
	[bflag:$0x3] =	sbarrier.arrive $0xFFFF;
	s2 =	simm.s32 @!p0 $0x1C05  }
0x1da: {  	[timem:s3], [sflag:s2] =	dma.local @!p0 [hbm:s0], s1  }
0x1db: {  	s0 =	simm.s32 @!p0 $0x5  }
0x1dc: {  	_ =	swait.ge @!p0 [sflag:s0], s1  }
0x1dd: {  	s1 =	ssub.s32 @!p0 $0x0, s1;
	[sflag:s0] =	ssyncset.done @!p0 $0x0  }
0x1de: {  	[sflag:s0] =	ssyncadd.s32 @!p0 s1  }
0x1df: {  	[bflag:$0x3] =	sbarrier.arrive $0xFFFF  }
0x1e0: {  	_ =	shalt  }

</sc_bundles>
